<compile_context>
chip_gen: v7x
topology: tpu7x:2x2x1
jax: 0.10.2.dev20260603
libtpu: 0.0.44.dev20260713+nightly
codegen_flags: <defaults>
</compile_context>

<pallas_src>
import functools

import jax
import jax.numpy as jnp
from jax.experimental import pallas as pl
from jax.experimental.pallas import tpu as pltpu
from jax.experimental.pallas import tpu_sc as plsc

_TILE = 64


def _route_body(eid_ref, wts_ref, slot_ref, w128_ref, starts_ref,
                nblocks_ref):
    nk = eid_ref.shape[0]
    num_e = starts_ref.shape[1]
    w128_ref[...] = jnp.broadcast_to(wts_ref[...], (nk, 128))

    eid = eid_ref[...]
    lanes = jax.lax.broadcasted_iota(jnp.int32, (nk, num_e), 1)
    oh = eid == lanes
    oh_bf = oh.astype(jnp.bfloat16)
    oh_f = oh.astype(jnp.float32)

    row = jax.lax.broadcasted_iota(jnp.int32, (nk, nk), 0)
    col = jax.lax.broadcasted_iota(jnp.int32, (nk, nk), 1)
    lower = (col < row).astype(jnp.bfloat16)
    before = jnp.dot(lower, oh_bf, preferred_element_type=jnp.float32)
    rank = jnp.sum(before * oh_f, axis=1, keepdims=True)

    counts = jnp.sum(oh_f, axis=0, keepdims=True).astype(jnp.int32)
    aligned = ((counts + 7) // 8) * 8
    erow = jax.lax.broadcasted_iota(jnp.int32, (num_e, num_e), 0)
    ecol = jax.lax.broadcasted_iota(jnp.int32, (num_e, num_e), 1)
    tri = (erow < ecol).astype(jnp.bfloat16)
    starts_f = jnp.dot(aligned.astype(jnp.bfloat16), tri,
                       preferred_element_type=jnp.float32)
    start_of_tok = jnp.sum(starts_f * oh_f, axis=1, keepdims=True)

    slot_ref[...] = (start_of_tok + rank).astype(jnp.int32)
    starts_ref[...] = starts_f.astype(jnp.int32)
    nblocks_ref[...] = (counts + (_TILE - 1)) // _TILE


def _dispatch_sc(hs, w128, idx2d, npad):
    n, d = hs.shape
    dw = w128.shape[1]
    info = plsc.get_sparse_core_info()
    chunk = idx2d.shape[1]
    mesh = plsc.VectorSubcoreMesh(core_axis_name="c", subcore_axis_name="s")

    @functools.partial(
        pl.kernel,
        mesh=mesh,
        out_type=(
            jax.ShapeDtypeStruct((npad, d), jnp.float32),
            jax.ShapeDtypeStruct((npad, dw), jnp.float32),
        ),
        scratch_types=[
            pltpu.VMEM((chunk,), jnp.int32),
            pltpu.VMEM((chunk, d), jnp.float32),
            pltpu.VMEM((chunk, dw), jnp.float32),
            pltpu.SemaphoreType.DMA,
            pltpu.SemaphoreType.DMA,
            pltpu.SemaphoreType.DMA,
            pltpu.SemaphoreType.DMA,
        ],
    )
    def scat(hs_hbm, w_hbm, idx_hbm, xs_hbm, ws_hbm, idx_v, rows_v, w_v,
             sem_a, sem_b, sem_c, sem_d):
        wid = (jax.lax.axis_index("s") * info.num_cores
               + jax.lax.axis_index("c"))
        base = wid * chunk
        pltpu.sync_copy(idx_hbm.at[wid], idx_v)
        lda = pltpu.async_copy(hs_hbm.at[pl.ds(base, chunk)], rows_v, sem_a)
        ldb = pltpu.async_copy(w_hbm.at[pl.ds(base, chunk)], w_v, sem_b)
        lda.wait()
        sta = pltpu.async_copy(rows_v, xs_hbm.at[idx_v], sem_c)
        ldb.wait()
        stb = pltpu.async_copy(w_v, ws_hbm.at[idx_v], sem_d)
        sta.wait()
        stb.wait()

    return scat(hs, w128, idx2d)


def _unsort_sc(ys, idx2d, n):
    npad, d = ys.shape
    info = plsc.get_sparse_core_info()
    chunk = idx2d.shape[1]
    mesh = plsc.VectorSubcoreMesh(core_axis_name="c", subcore_axis_name="s")

    @functools.partial(
        pl.kernel,
        mesh=mesh,
        out_type=jax.ShapeDtypeStruct((n, d), jnp.float32),
        scratch_types=[
            pltpu.VMEM((chunk,), jnp.int32),
            pltpu.VMEM((chunk, d), jnp.float32),
            pltpu.SemaphoreType.DMA,
        ],
    )
    def gath(ys_hbm, idx_hbm, out_hbm, idx_v, rows_v, sem):
        wid = (jax.lax.axis_index("s") * info.num_cores
               + jax.lax.axis_index("c"))
        base = wid * chunk
        pltpu.sync_copy(idx_hbm.at[wid], idx_v)
        pltpu.async_copy(ys_hbm.at[idx_v], rows_v, sem).wait()
        pltpu.sync_copy(rows_v, out_hbm.at[pl.ds(base, chunk)])

    return gath(ys, idx2d)


def _moe_body(starts_ref, nblocks_ref, xs_ref, ws_ref, wg_ref, wu_ref,
              wd_ref, out_ref):
    e = pl.program_id(0)
    start = starts_ref[e]
    nb = nblocks_ref[e]
    wg = wg_ref[0].astype(jnp.bfloat16)
    wu = wu_ref[0].astype(jnp.bfloat16)
    wd = wd_ref[0].astype(jnp.bfloat16)

    def tile(k, carry):
        offs = pl.multiple_of(start + k * _TILE, 8)
        x = xs_ref[pl.ds(offs, _TILE), :].astype(jnp.bfloat16)
        g = jnp.dot(x, wg, preferred_element_type=jnp.float32)
        u = jnp.dot(x, wu, preferred_element_type=jnp.float32)
        a = ((g * jax.nn.sigmoid(g)) * u).astype(jnp.bfloat16)
        o = jnp.dot(a, wd, preferred_element_type=jnp.float32)
        w = ws_ref[pl.ds(offs, _TILE), 0:1]
        out_ref[pl.ds(offs, _TILE), :] = o * w
        return carry

    jax.lax.fori_loop(0, nb, tile, 0)


def kernel(hidden_states, top_k_indices, top_k_weights, Wg, Wu, Wd):
    N, D = hidden_states.shape
    E, _, H = Wg.shape
    K = top_k_indices.shape[1]
    NK = N * K

    npad = NK + 8 * E + 4 * _TILE
    npad = ((npad + 255) // 256) * 256

    eid = top_k_indices.reshape(NK, 1).astype(jnp.int32)
    wts = top_k_weights.reshape(NK, 1).astype(jnp.float32)

    slot, w128, starts, nblocks = pl.pallas_call(
        _route_body,
        out_shape=(
            jax.ShapeDtypeStruct((NK, 1), jnp.int32),
            jax.ShapeDtypeStruct((NK, 128), jnp.float32),
            jax.ShapeDtypeStruct((1, E), jnp.int32),
            jax.ShapeDtypeStruct((1, E), jnp.int32),
        ),
    )(eid, wts)
    nw = (plsc.get_sparse_core_info().num_cores
          * plsc.get_sparse_core_info().num_subcores)
    idx2d = slot.reshape(nw, NK // nw)

    if K > 1:
        hs = hidden_states[
            jnp.repeat(jnp.arange(N, dtype=jnp.int32), K)]
    else:
        hs = hidden_states
    xs, ws = _dispatch_sc(hs, w128, idx2d, npad)

    ys = pl.pallas_call(
        _moe_body,
        grid_spec=pltpu.PrefetchScalarGridSpec(
            num_scalar_prefetch=2,
            grid=(E,),
            in_specs=[
                pl.BlockSpec((npad, D), lambda e, s, nb: (0, 0)),
                pl.BlockSpec((npad, 128), lambda e, s, nb: (0, 0)),
                pl.BlockSpec((1, D, H), lambda e, s, nb: (e, 0, 0)),
                pl.BlockSpec((1, D, H), lambda e, s, nb: (e, 0, 0)),
                pl.BlockSpec((1, H, D), lambda e, s, nb: (e, 0, 0)),
            ],
            out_specs=pl.BlockSpec((npad, D), lambda e, s, nb: (0, 0)),
        ),
        out_shape=jax.ShapeDtypeStruct((npad, D), jnp.float32),
        compiler_params=pltpu.CompilerParams(
            dimension_semantics=("arbitrary",)),
    )(starts.reshape(E), nblocks.reshape(E), xs, ws, Wg, Wu, Wd)

    if K == 1:
        return _unsort_sc(ys, idx2d, N)
    slot2 = slot.reshape(N, K)
    out = ys[slot2[:, 0]]
    for k in range(1, K):
        out = out + ys[slot2[:, k]]
    return out

# --- scband reference (transcript-rebuilt; emitter-appended) ---
"""Pipeline reference for scband-routed-experts-18502719111701 (READ-ONLY COPY).

The authoritative reference and input builder live on the scoring server;
editing this copy changes nothing except your own understanding.
"""

import jax, jax.numpy as jnp
import numpy as np

N = 2048
D = 768
H = 1024
E = 64
K = 1


def setup_inputs(seed: int = 0) -> dict:
    key = jax.random.key(seed)
    ks = jax.random.split(key, 6)
    hidden_states = jax.random.normal(ks[0], (N, D), dtype=jnp.float32)
    top_k_indices = jax.random.randint(ks[1], (N, K), 0, E)
    top_k_weights = jax.random.uniform(ks[2], (N, K), dtype=jnp.float32)
    Wg = jax.random.normal(ks[3], (E, D, H), dtype=jnp.float32) * 0.02
    Wu = jax.random.normal(ks[4], (E, D, H), dtype=jnp.float32) * 0.02
    Wd = jax.random.normal(ks[5], (E, H, D), dtype=jnp.float32) * 0.02
    return {
        "hidden_states": hidden_states,
        "top_k_indices": top_k_indices,
        "top_k_weights": top_k_weights,
        "Wg": Wg,
        "Wu": Wu,
        "Wd": Wd,
    }


def reference(hidden_states, top_k_indices, top_k_weights, Wg, Wu, Wd):
    num_tokens = hidden_states.shape[0]
    out_dim = Wd.shape[2]
    num_experts = Wg.shape[0]
    output = jnp.zeros((num_tokens, out_dim), dtype=hidden_states.dtype)

    def body(carry, xs):
        e, wg, wu, wd = xs
        mask = top_k_indices == e
        weights = jnp.sum(
            jnp.where(mask, top_k_weights, jnp.zeros_like(top_k_weights)), axis=1
        )
        g = hidden_states @ wg
        u = hidden_states @ wu
        expert_output = (jax.nn.silu(g) * u) @ wd
        weighted_output = expert_output * weights[:, None]
        return carry + weighted_output, None

    expert_ids = jnp.arange(num_experts, dtype=top_k_indices.dtype)
    output, _ = jax.lax.scan(body, output, (expert_ids, Wg, Wu, Wd))
    return output

if __name__ == "__main__":
    import jax
    _d = setup_inputs()
    print(jax.jit(kernel)(*tuple(_d.values())))

</pallas_src>

<mosaic_0001>
#map = affine_map<(d0, d1) -> (0, 0)>
module attributes {stable_mosaic.version = 14 : i64} {
  func.func @gath(%arg0: i32, %arg1: i32, %arg2: memref<2816x768xf32, #tpu.memory_space<hbm>>, %arg3: memref<32x64xi32, #tpu.memory_space<hbm>>, %arg4: memref<2048x768xf32, #tpu.memory_space<hbm>>, %arg5: memref<64xi32, #tpu.memory_space<vmem>>, %arg6: memref<64x768xf32, #tpu.memory_space<vmem>>, %arg7: memref<!tpu.dma_semaphore, #tpu.memory_space<semaphore_mem>>) attributes {dimension_semantics = [#tpu.dimension_semantics<core_parallel>, #tpu.dimension_semantics<subcore_parallel>], iteration_bounds = array<i64: 2, 16>, scalar_prefetch = 0 : i64, scratch_operands = 3 : i64, tpu.core_type = #tpu.core_type<sc_vector_subcore>, window_params = [{transform_indices = #map}, {transform_indices = #map}, {transform_indices = #map}]} {
    %mul3A = arith.constant 2 : i32
    %mul3A_0 = arith.muli %arg1, %mul3A : i32
    %add3A = arith.addi %mul3A_0, %arg0 : i32
    %mul3A_1 = arith.constant 64 : i32
    %mul3A_2 = arith.muli %add3A, %mul3A_1 : i32
    "tpu.region"() ({
      %run_scoped3A = tpu.sem_alloc : memref<!tpu.dma_semaphore, #tpu.memory_space<semaphore_mem>>
      %dma_start3A_7 = arith.constant 0 : i32
      %dma_start3A_8 = tpu.memref_slice %arg3[%add3A, %dma_start3A_7] : memref<32x64xi32, #tpu.memory_space<hbm>> -> memref<1x64xi32, #tpu.memory_space<hbm>>
      %dma_start3A_9 = tpu.memref_squeeze %dma_start3A_8 : memref<1x64xi32, #tpu.memory_space<hbm>> -> memref<64xi32, #tpu.memory_space<hbm>>
      %dma_start3A_10 = arith.constant 0 : i32
      %dma_start3A_11 = tpu.memref_slice %arg3[%add3A, %dma_start3A_10] : memref<32x64xi32, #tpu.memory_space<hbm>> -> memref<1x64xi32, #tpu.memory_space<hbm>>
      %dma_start3A_12 = tpu.memref_squeeze %dma_start3A_11 : memref<1x64xi32, #tpu.memory_space<hbm>> -> memref<64xi32, #tpu.memory_space<hbm>>
      tpu.enqueue_dma source(%dma_start3A_12 : memref<64xi32, #tpu.memory_space<hbm>>) target(%arg5 : memref<64xi32, #tpu.memory_space<vmem>>) target_semaphore(%run_scoped3A : memref<!tpu.dma_semaphore, #tpu.memory_space<semaphore_mem>>)
      %dma_wait3A_13 = arith.constant 0 : i32
      %dma_wait3A_14 = tpu.memref_slice %arg3[%add3A, %dma_wait3A_13] : memref<32x64xi32, #tpu.memory_space<hbm>> -> memref<1x64xi32, #tpu.memory_space<hbm>>
      %dma_wait3A_15 = tpu.memref_squeeze %dma_wait3A_14 : memref<1x64xi32, #tpu.memory_space<hbm>> -> memref<64xi32, #tpu.memory_space<hbm>>
      %dma_wait3A_16 = arith.constant 0 : i32
      %dma_wait3A_17 = tpu.memref_slice %arg3[%add3A, %dma_wait3A_16] : memref<32x64xi32, #tpu.memory_space<hbm>> -> memref<1x64xi32, #tpu.memory_space<hbm>>
      %dma_wait3A_18 = tpu.memref_squeeze %dma_wait3A_17 : memref<1x64xi32, #tpu.memory_space<hbm>> -> memref<64xi32, #tpu.memory_space<hbm>>
      tpu.wait_dma2 semaphore(%run_scoped3A : memref<!tpu.dma_semaphore, #tpu.memory_space<semaphore_mem>>) src(%dma_wait3A_18 : memref<64xi32, #tpu.memory_space<hbm>>) dst(%arg5 : memref<64xi32, #tpu.memory_space<vmem>>)
      tpu.yield
    }) : () -> ()
    %dma_start3A = arith.constant 0 : i32
    %dma_start3A_3 = arith.constant 0 : i32
    %dma_start3A_4 = tpu.memref_slice %arg2[%dma_start3A, %dma_start3A_3] : memref<2816x768xf32, #tpu.memory_space<hbm>> -> memref<2816x768xf32, #tpu.memory_space<hbm>>
    tpu.enqueue_indirect_dma source(%dma_start3A_4 : memref<2816x768xf32, #tpu.memory_space<hbm>>) target(%arg6 : memref<64x768xf32, #tpu.memory_space<vmem>>) offsets(%arg5 : memref<64xi32, #tpu.memory_space<vmem>>) semaphore(%arg7 : memref<!tpu.dma_semaphore, #tpu.memory_space<semaphore_mem>>)
    %dma_wait3A = arith.constant 0 : i32
    %dma_wait3A_5 = arith.constant 0 : i32
    %dma_wait3A_6 = tpu.memref_slice %arg2[%dma_wait3A, %dma_wait3A_5] : memref<2816x768xf32, #tpu.memory_space<hbm>> -> memref<2816x768xf32, #tpu.memory_space<hbm>>
    tpu.wait_indirect_dma semaphore(%arg7 : memref<!tpu.dma_semaphore, #tpu.memory_space<semaphore_mem>>) src(%dma_wait3A_6 : memref<2816x768xf32, #tpu.memory_space<hbm>>) dst(%arg6 : memref<64x768xf32, #tpu.memory_space<vmem>>)
    "tpu.region"() ({
      %run_scoped3A = tpu.sem_alloc : memref<!tpu.dma_semaphore, #tpu.memory_space<semaphore_mem>>
      %dma_start3A_7 = arith.constant 0 : i32
      %dma_start3A_8 = tpu.memref_slice %arg4[%mul3A_2, %dma_start3A_7] : memref<2048x768xf32, #tpu.memory_space<hbm>> -> memref<64x768xf32, #tpu.memory_space<hbm>>
      %dma_start3A_9 = arith.constant 0 : i32
      %dma_start3A_10 = tpu.memref_slice %arg4[%mul3A_2, %dma_start3A_9] : memref<2048x768xf32, #tpu.memory_space<hbm>> -> memref<64x768xf32, #tpu.memory_space<hbm>>
      tpu.enqueue_dma source(%arg6 : memref<64x768xf32, #tpu.memory_space<vmem>>) target(%dma_start3A_10 : memref<64x768xf32, #tpu.memory_space<hbm>>) target_semaphore(%run_scoped3A : memref<!tpu.dma_semaphore, #tpu.memory_space<semaphore_mem>>)
      %dma_wait3A_11 = arith.constant 0 : i32
      %dma_wait3A_12 = tpu.memref_slice %arg4[%mul3A_2, %dma_wait3A_11] : memref<2048x768xf32, #tpu.memory_space<hbm>> -> memref<64x768xf32, #tpu.memory_space<hbm>>
      %dma_wait3A_13 = arith.constant 0 : i32
      %dma_wait3A_14 = tpu.memref_slice %arg4[%mul3A_2, %dma_wait3A_13] : memref<2048x768xf32, #tpu.memory_space<hbm>> -> memref<64x768xf32, #tpu.memory_space<hbm>>
      tpu.wait_dma2 semaphore(%run_scoped3A : memref<!tpu.dma_semaphore, #tpu.memory_space<semaphore_mem>>) src(%arg6 : memref<64x768xf32, #tpu.memory_space<vmem>>) dst(%dma_wait3A_14 : memref<64x768xf32, #tpu.memory_space<hbm>>)
      tpu.yield
    }) : () -> ()
    return
  }
}

#map = affine_map<(d0, d1) -> (0, 0)>
module attributes {stable_mosaic.version = 14 : i64} {
  func.func @scat(%arg0: i32, %arg1: i32, %arg2: memref<2048x768xf32, #tpu.memory_space<hbm>>, %arg3: memref<2048x128xf32, #tpu.memory_space<hbm>>, %arg4: memref<32x64xi32, #tpu.memory_space<hbm>>, %arg5: memref<2816x768xf32, #tpu.memory_space<hbm>>, %arg6: memref<2816x128xf32, #tpu.memory_space<hbm>>, %arg7: memref<64xi32, #tpu.memory_space<vmem>>, %arg8: memref<64x768xf32, #tpu.memory_space<vmem>>, %arg9: memref<64x128xf32, #tpu.memory_space<vmem>>, %arg10: memref<!tpu.dma_semaphore, #tpu.memory_space<semaphore_mem>>, %arg11: memref<!tpu.dma_semaphore, #tpu.memory_space<semaphore_mem>>, %arg12: memref<!tpu.dma_semaphore, #tpu.memory_space<semaphore_mem>>, %arg13: memref<!tpu.dma_semaphore, #tpu.memory_space<semaphore_mem>>) attributes {dimension_semantics = [#tpu.dimension_semantics<core_parallel>, #tpu.dimension_semantics<subcore_parallel>], iteration_bounds = array<i64: 2, 16>, scalar_prefetch = 0 : i64, scratch_operands = 7 : i64, tpu.core_type = #tpu.core_type<sc_vector_subcore>, window_params = [{transform_indices = #map}, {transform_indices = #map}, {transform_indices = #map}, {transform_indices = #map}, {transform_indices = #map}]} {
    %mul3A = arith.constant 2 : i32
    %mul3A_0 = arith.muli %arg1, %mul3A : i32
    %add3A = arith.addi %mul3A_0, %arg0 : i32
    %mul3A_1 = arith.constant 64 : i32
    %mul3A_2 = arith.muli %add3A, %mul3A_1 : i32
    "tpu.region"() ({
      %run_scoped3A = tpu.sem_alloc : memref<!tpu.dma_semaphore, #tpu.memory_space<semaphore_mem>>
      %dma_start3A_29 = arith.constant 0 : i32
      %dma_start3A_30 = tpu.memref_slice %arg4[%add3A, %dma_start3A_29] : memref<32x64xi32, #tpu.memory_space<hbm>> -> memref<1x64xi32, #tpu.memory_space<hbm>>
      %dma_start3A_31 = tpu.memref_squeeze %dma_start3A_30 : memref<1x64xi32, #tpu.memory_space<hbm>> -> memref<64xi32, #tpu.memory_space<hbm>>
      %dma_start3A_32 = arith.constant 0 : i32
      %dma_start3A_33 = tpu.memref_slice %arg4[%add3A, %dma_start3A_32] : memref<32x64xi32, #tpu.memory_space<hbm>> -> memref<1x64xi32, #tpu.memory_space<hbm>>
      %dma_start3A_34 = tpu.memref_squeeze %dma_start3A_33 : memref<1x64xi32, #tpu.memory_space<hbm>> -> memref<64xi32, #tpu.memory_space<hbm>>
      tpu.enqueue_dma source(%dma_start3A_34 : memref<64xi32, #tpu.memory_space<hbm>>) target(%arg7 : memref<64xi32, #tpu.memory_space<vmem>>) target_semaphore(%run_scoped3A : memref<!tpu.dma_semaphore, #tpu.memory_space<semaphore_mem>>)
      %dma_wait3A_35 = arith.constant 0 : i32
      %dma_wait3A_36 = tpu.memref_slice %arg4[%add3A, %dma_wait3A_35] : memref<32x64xi32, #tpu.memory_space<hbm>> -> memref<1x64xi32, #tpu.memory_space<hbm>>
      %dma_wait3A_37 = tpu.memref_squeeze %dma_wait3A_36 : memref<1x64xi32, #tpu.memory_space<hbm>> -> memref<64xi32, #tpu.memory_space<hbm>>
      %dma_wait3A_38 = arith.constant 0 : i32
      %dma_wait3A_39 = tpu.memref_slice %arg4[%add3A, %dma_wait3A_38] : memref<32x64xi32, #tpu.memory_space<hbm>> -> memref<1x64xi32, #tpu.memory_space<hbm>>
      %dma_wait3A_40 = tpu.memref_squeeze %dma_wait3A_39 : memref<1x64xi32, #tpu.memory_space<hbm>> -> memref<64xi32, #tpu.memory_space<hbm>>
      tpu.wait_dma2 semaphore(%run_scoped3A : memref<!tpu.dma_semaphore, #tpu.memory_space<semaphore_mem>>) src(%dma_wait3A_40 : memref<64xi32, #tpu.memory_space<hbm>>) dst(%arg7 : memref<64xi32, #tpu.memory_space<vmem>>)
      tpu.yield
    }) : () -> ()
    %dma_start3A = arith.constant 0 : i32
    %dma_start3A_3 = tpu.memref_slice %arg2[%mul3A_2, %dma_start3A] : memref<2048x768xf32, #tpu.memory_space<hbm>> -> memref<64x768xf32, #tpu.memory_space<hbm>>
    %dma_start3A_4 = arith.constant 0 : i32
    %dma_start3A_5 = tpu.memref_slice %arg2[%mul3A_2, %dma_start3A_4] : memref<2048x768xf32, #tpu.memory_space<hbm>> -> memref<64x768xf32, #tpu.memory_space<hbm>>
    tpu.enqueue_dma source(%dma_start3A_5 : memref<64x768xf32, #tpu.memory_space<hbm>>) target(%arg8 : memref<64x768xf32, #tpu.memory_space<vmem>>) target_semaphore(%arg10 : memref<!tpu.dma_semaphore, #tpu.memory_space<semaphore_mem>>)
    %dma_start3A_6 = arith.constant 0 : i32
    %dma_start3A_7 = tpu.memref_slice %arg3[%mul3A_2, %dma_start3A_6] : memref<2048x128xf32, #tpu.memory_space<hbm>> -> memref<64x128xf32, #tpu.memory_space<hbm>>
    %dma_start3A_8 = arith.constant 0 : i32
    %dma_start3A_9 = tpu.memref_slice %arg3[%mul3A_2, %dma_start3A_8] : memref<2048x128xf32, #tpu.memory_space<hbm>> -> memref<64x128xf32, #tpu.memory_space<hbm>>
    tpu.enqueue_dma source(%dma_start3A_9 : memref<64x128xf32, #tpu.memory_space<hbm>>) target(%arg9 : memref<64x128xf32, #tpu.memory_space<vmem>>) target_semaphore(%arg11 : memref<!tpu.dma_semaphore, #tpu.memory_space<semaphore_mem>>)
    %dma_wait3A = arith.constant 0 : i32
    %dma_wait3A_10 = tpu.memref_slice %arg2[%mul3A_2, %dma_wait3A] : memref<2048x768xf32, #tpu.memory_space<hbm>> -> memref<64x768xf32, #tpu.memory_space<hbm>>
    %dma_wait3A_11 = arith.constant 0 : i32
    %dma_wait3A_12 = tpu.memref_slice %arg2[%mul3A_2, %dma_wait3A_11] : memref<2048x768xf32, #tpu.memory_space<hbm>> -> memref<64x768xf32, #tpu.memory_space<hbm>>
    tpu.wait_dma2 semaphore(%arg10 : memref<!tpu.dma_semaphore, #tpu.memory_space<semaphore_mem>>) src(%dma_wait3A_12 : memref<64x768xf32, #tpu.memory_space<hbm>>) dst(%arg8 : memref<64x768xf32, #tpu.memory_space<vmem>>)
    %dma_start3A_13 = arith.constant 0 : i32
    %dma_start3A_14 = arith.constant 0 : i32
    %dma_start3A_15 = tpu.memref_slice %arg5[%dma_start3A_13, %dma_start3A_14] : memref<2816x768xf32, #tpu.memory_space<hbm>> -> memref<2816x768xf32, #tpu.memory_space<hbm>>
    tpu.enqueue_indirect_dma source(%arg8 : memref<64x768xf32, #tpu.memory_space<vmem>>) target(%dma_start3A_15 : memref<2816x768xf32, #tpu.memory_space<hbm>>) offsets(%arg7 : memref<64xi32, #tpu.memory_space<vmem>>) semaphore(%arg12 : memref<!tpu.dma_semaphore, #tpu.memory_space<semaphore_mem>>)
    %dma_wait3A_16 = arith.constant 0 : i32
    %dma_wait3A_17 = tpu.memref_slice %arg3[%mul3A_2, %dma_wait3A_16] : memref<2048x128xf32, #tpu.memory_space<hbm>> -> memref<64x128xf32, #tpu.memory_space<hbm>>
    %dma_wait3A_18 = arith.constant 0 : i32
    %dma_wait3A_19 = tpu.memref_slice %arg3[%mul3A_2, %dma_wait3A_18] : memref<2048x128xf32, #tpu.memory_space<hbm>> -> memref<64x128xf32, #tpu.memory_space<hbm>>
    tpu.wait_dma2 semaphore(%arg11 : memref<!tpu.dma_semaphore, #tpu.memory_space<semaphore_mem>>) src(%dma_wait3A_19 : memref<64x128xf32, #tpu.memory_space<hbm>>) dst(%arg9 : memref<64x128xf32, #tpu.memory_space<vmem>>)
    %dma_start3A_20 = arith.constant 0 : i32
    %dma_start3A_21 = arith.constant 0 : i32
    %dma_start3A_22 = tpu.memref_slice %arg6[%dma_start3A_20, %dma_start3A_21] : memref<2816x128xf32, #tpu.memory_space<hbm>> -> memref<2816x128xf32, #tpu.memory_space<hbm>>
    tpu.enqueue_indirect_dma source(%arg9 : memref<64x128xf32, #tpu.memory_space<vmem>>) target(%dma_start3A_22 : memref<2816x128xf32, #tpu.memory_space<hbm>>) offsets(%arg7 : memref<64xi32, #tpu.memory_space<vmem>>) semaphore(%arg13 : memref<!tpu.dma_semaphore, #tpu.memory_space<semaphore_mem>>)
    %dma_wait3A_23 = arith.constant 0 : i32
    %dma_wait3A_24 = arith.constant 0 : i32
    %dma_wait3A_25 = tpu.memref_slice %arg5[%dma_wait3A_23, %dma_wait3A_24] : memref<2816x768xf32, #tpu.memory_space<hbm>> -> memref<2816x768xf32, #tpu.memory_space<hbm>>
    tpu.wait_indirect_dma semaphore(%arg12 : memref<!tpu.dma_semaphore, #tpu.memory_space<semaphore_mem>>) src(%arg8 : memref<64x768xf32, #tpu.memory_space<vmem>>) dst(%dma_wait3A_25 : memref<2816x768xf32, #tpu.memory_space<hbm>>)
    %dma_wait3A_26 = arith.constant 0 : i32
    %dma_wait3A_27 = arith.constant 0 : i32
    %dma_wait3A_28 = tpu.memref_slice %arg6[%dma_wait3A_26, %dma_wait3A_27] : memref<2816x128xf32, #tpu.memory_space<hbm>> -> memref<2816x128xf32, #tpu.memory_space<hbm>>
    tpu.wait_indirect_dma semaphore(%arg13 : memref<!tpu.dma_semaphore, #tpu.memory_space<semaphore_mem>>) src(%arg9 : memref<64x128xf32, #tpu.memory_space<vmem>>) dst(%dma_wait3A_28 : memref<2816x128xf32, #tpu.memory_space<hbm>>)
    return
  }
}

module attributes {stable_mosaic.version = 14 : i64} {
  func.func @_route_body(%arg0: memref<2048x1xi32, #tpu.memory_space<vmem>>, %arg1: memref<2048x1xf32, #tpu.memory_space<vmem>>, %arg2: memref<2048x1xi32, #tpu.memory_space<vmem>>, %arg3: memref<2048x128xf32, #tpu.memory_space<vmem>>, %arg4: memref<1x64xi32, #tpu.memory_space<vmem>>, %arg5: memref<1x64xi32, #tpu.memory_space<vmem>>) attributes {dimension_semantics = [], scalar_prefetch = 0 : i64, scratch_operands = 0 : i64, tpu.core_type = #tpu.core_type<tc>} {
    %get3A = arith.constant 0 : index
    %get3A_0 = arith.constant 0 : index
    %get3A_1 = vector.load %arg1[%get3A, %get3A_0] : memref<2048x1xf32, #tpu.memory_space<vmem>>, vector<2048x1xf32>
    %broadcast_in_dim3A = vector.shape_cast %get3A_1 : vector<2048x1xf32> to vector<2048x1xf32>
    %broadcast_in_dim3A_2 = vector.broadcast %broadcast_in_dim3A : vector<2048x1xf32> to vector<2048x128xf32>
    %swap3A = arith.constant 0 : index
    %swap3A_3 = arith.constant 0 : index
    %swap3A_4 = vector.load %arg3[%swap3A, %swap3A_3] : memref<2048x128xf32, #tpu.memory_space<vmem>>, vector<2048x128xf32>
    tpu.vector_store %arg3[%swap3A, %swap3A_3], %broadcast_in_dim3A_2 {strides = array<i32>} : memref<2048x128xf32, #tpu.memory_space<vmem>>, vector<2048x128xf32>,
    %get3A_5 = arith.constant 0 : index
    %get3A_6 = arith.constant 0 : index
    %get3A_7 = vector.load %arg0[%get3A_5, %get3A_6] : memref<2048x1xi32, #tpu.memory_space<vmem>>, vector<2048x1xi32>
    %iota3A = tpu.iota {dimensions = array<i32: 1>} : vector<2048x64xi32>
    %eq3A = vector.broadcast %get3A_7 : vector<2048x1xi32> to vector<2048x64xi32>
    %eq3A_8 = arith.cmpi eq, %eq3A, %iota3A : vector<2048x64xi32>
    %convert_element_type3A = arith.extui %eq3A_8 : vector<2048x64xi1> to vector<2048x64xi32>
    %convert_element_type3A_9 = arith.sitofp %convert_element_type3A : vector<2048x64xi32> to vector<2048x64xf32>
    %convert_element_type3A_10 = arith.truncf %convert_element_type3A_9 : vector<2048x64xf32> to vector<2048x64xbf16>
    %convert_element_type3A_11 = arith.extui %eq3A_8 : vector<2048x64xi1> to vector<2048x64xi32>
    %convert_element_type3A_12 = arith.sitofp %convert_element_type3A_11 : vector<2048x64xi32> to vector<2048x64xf32>
    %iota3A_13 = tpu.iota {dimensions = array<i32: 0>} : vector<2048x2048xi32>
    %iota3A_14 = tpu.iota {dimensions = array<i32: 1>} : vector<2048x2048xi32>
    %lt3A = arith.cmpi slt, %iota3A_14, %iota3A_13 : vector<2048x2048xi32>
    %convert_element_type3A_15 = arith.extui %lt3A : vector<2048x2048xi1> to vector<2048x2048xi32>
    %convert_element_type3A_16 = arith.sitofp %convert_element_type3A_15 : vector<2048x2048xi32> to vector<2048x2048xf32>
    %convert_element_type3A_17 = arith.truncf %convert_element_type3A_16 : vector<2048x2048xf32> to vector<2048x2048xbf16>
    %dot_general3A = arith.constant dense<0.000000e+00> : vector<2048x64xf32>
    %dot_general3A_18 = tpu.matmul %convert_element_type3A_17, %convert_element_type3A_10, %dot_general3A {dimension_numbers = #tpu.dot_dimension_numbers<[1], [0], [0], [1], [0, 0, 1, 1], [], []>, transpose_lhs_hint = false} : vector<2048x2048xbf16>, vector<2048x64xbf16>, vector<2048x64xf32> -> vector<2048x64xf32>
    %mul3A = arith.mulf %dot_general3A_18, %convert_element_type3A_12 : vector<2048x64xf32>
    %reduce_sum3A = arith.constant dense<0.000000e+00> : vector<2048xf32>
    %reduce_sum3A_19 = vector.multi_reduction <add>, %mul3A, %reduce_sum3A [1] : vector<2048x64xf32> to vector<2048xf32>
    %broadcast_in_dim3A_20 = vector.shape_cast %reduce_sum3A_19 : vector<2048xf32> to vector<2048x1xf32>
    %reduce_sum3A_21 = arith.constant dense<0.000000e+00> : vector<64xf32>
    %reduce_sum3A_22 = vector.multi_reduction <add>, %convert_element_type3A_12, %reduce_sum3A_21 [0] : vector<2048x64xf32> to vector<64xf32>
    %broadcast_in_dim3A_23 = vector.shape_cast %reduce_sum3A_22 : vector<64xf32> to vector<1x64xf32>
    %convert_element_type3A_24 = arith.fptosi %broadcast_in_dim3A_23 : vector<1x64xf32> to vector<1x64xi32>
    %add3A = arith.constant 7 : i32
    %add3A_25 = vector.broadcast %add3A : i32 to vector<1x64xi32>
    %add3A_26 = arith.addi %convert_element_type3A_24, %add3A_25 : vector<1x64xi32>
    %jit3A = arith.constant 8 : i32
    %div3A = vector.broadcast %jit3A : i32 to vector<1x64xi32>
    %div3A_27 = arith.divsi %add3A_26, %div3A : vector<1x64xi32>
    %sign3A = arith.constant 0 : i32
    %sign3A_28 = vector.broadcast %sign3A : i32 to vector<1x64xi32>
    %sign3A_29 = arith.cmpi sgt, %add3A_26, %sign3A_28 : vector<1x64xi32>
    %sign3A_30 = arith.extui %sign3A_29 : vector<1x64xi1> to vector<1x64xi32>
    %sign3A_31 = arith.constant 0 : i32
    %sign3A_32 = vector.broadcast %sign3A_31 : i32 to vector<1x64xi32>
    %sign3A_33 = arith.cmpi slt, %add3A_26, %sign3A_32 : vector<1x64xi32>
    %sign3A_34 = arith.extui %sign3A_33 : vector<1x64xi1> to vector<1x64xi32>
    %sign3A_35 = arith.subi %sign3A_30, %sign3A_34 : vector<1x64xi32>
    %sign3A_36 = arith.constant 0 : i32
    %sign3A_37 = arith.cmpi sgt, %jit3A, %sign3A_36 : i32
    %sign3A_38 = arith.extui %sign3A_37 : i1 to i32
    %sign3A_39 = arith.constant 0 : i32
    %sign3A_40 = arith.cmpi slt, %jit3A, %sign3A_39 : i32
    %sign3A_41 = arith.extui %sign3A_40 : i1 to i32
    %sign3A_42 = arith.subi %sign3A_38, %sign3A_41 : i32
    %ne3A = vector.broadcast %sign3A_42 : i32 to vector<1x64xi32>
    %ne3A_43 = arith.cmpi ne, %sign3A_35, %ne3A : vector<1x64xi32>
    %rem3A = vector.broadcast %jit3A : i32 to vector<1x64xi32>
    %rem3A_44 = arith.remsi %add3A_26, %rem3A : vector<1x64xi32>
    %ne3A_45 = arith.constant 0 : i32
    %ne3A_46 = vector.broadcast %ne3A_45 : i32 to vector<1x64xi32>
    %ne3A_47 = arith.cmpi ne, %rem3A_44, %ne3A_46 : vector<1x64xi32>
    %and3A = arith.andi %ne3A_43, %ne3A_47 : vector<1x64xi1>
    %sub3A = arith.constant 1 : i32
    %sub3A_48 = vector.broadcast %sub3A : i32 to vector<1x64xi32>
    %sub3A_49 = arith.subi %div3A_27, %sub3A_48 : vector<1x64xi32>
    %select_n3A = arith.select %and3A, %sub3A_49, %div3A_27 : vector<1x64xi1>, vector<1x64xi32>
    %mul3A_50 = arith.constant 8 : i32
    %mul3A_51 = vector.broadcast %mul3A_50 : i32 to vector<1x64xi32>
    %mul3A_52 = arith.muli %select_n3A, %mul3A_51 : vector<1x64xi32>
    %iota3A_53 = tpu.iota {dimensions = array<i32: 0>} : vector<64x64xi32>
    %iota3A_54 = tpu.iota {dimensions = array<i32: 1>} : vector<64x64xi32>
    %lt3A_55 = arith.cmpi slt, %iota3A_53, %iota3A_54 : vector<64x64xi32>
    %convert_element_type3A_56 = arith.extui %lt3A_55 : vector<64x64xi1> to vector<64x64xi32>
    %convert_element_type3A_57 = arith.sitofp %convert_element_type3A_56 : vector<64x64xi32> to vector<64x64xf32>
    %convert_element_type3A_58 = arith.truncf %convert_element_type3A_57 : vector<64x64xf32> to vector<64x64xbf16>
    %convert_element_type3A_59 = arith.sitofp %mul3A_52 : vector<1x64xi32> to vector<1x64xbf16>
    %dot_general3A_60 = arith.constant dense<0.000000e+00> : vector<1x64xf32>
    %dot_general3A_61 = tpu.matmul %convert_element_type3A_59, %convert_element_type3A_58, %dot_general3A_60 {dimension_numbers = #tpu.dot_dimension_numbers<[1], [0], [0], [1], [0, 0, 1, 1], [], []>, transpose_lhs_hint = false} : vector<1x64xbf16>, vector<64x64xbf16>, vector<1x64xf32> -> vector<1x64xf32>
    %mul3A_62 = vector.broadcast %dot_general3A_61 : vector<1x64xf32> to vector<2048x64xf32>
    %mul3A_63 = arith.mulf %mul3A_62, %convert_element_type3A_12 : vector<2048x64xf32>
    %reduce_sum3A_64 = arith.constant dense<0.000000e+00> : vector<2048xf32>
    %reduce_sum3A_65 = vector.multi_reduction <add>, %mul3A_63, %reduce_sum3A_64 [1] : vector<2048x64xf32> to vector<2048xf32>
    %broadcast_in_dim3A_66 = vector.shape_cast %reduce_sum3A_65 : vector<2048xf32> to vector<2048x1xf32>
    %add3A_67 = arith.addf %broadcast_in_dim3A_66, %broadcast_in_dim3A_20 : vector<2048x1xf32>
    %convert_element_type3A_68 = arith.fptosi %add3A_67 : vector<2048x1xf32> to vector<2048x1xi32>
    %swap3A_69 = arith.constant 0 : index
    %swap3A_70 = arith.constant 0 : index
    %swap3A_71 = vector.load %arg2[%swap3A_69, %swap3A_70] : memref<2048x1xi32, #tpu.memory_space<vmem>>, vector<2048x1xi32>
    tpu.vector_store %arg2[%swap3A_69, %swap3A_70], %convert_element_type3A_68 {strides = array<i32>} : memref<2048x1xi32, #tpu.memory_space<vmem>>, vector<2048x1xi32>,
    %convert_element_type3A_72 = arith.fptosi %dot_general3A_61 : vector<1x64xf32> to vector<1x64xi32>
    %swap3A_73 = arith.constant 0 : index
    %swap3A_74 = arith.constant 0 : index
    %swap3A_75 = vector.load %arg4[%swap3A_73, %swap3A_74] : memref<1x64xi32, #tpu.memory_space<vmem>>, vector<1x64xi32>
    tpu.vector_store %arg4[%swap3A_73, %swap3A_74], %convert_element_type3A_72 {strides = array<i32>} : memref<1x64xi32, #tpu.memory_space<vmem>>, vector<1x64xi32>,
    %add3A_76 = arith.constant 63 : i32
    %add3A_77 = vector.broadcast %add3A_76 : i32 to vector<1x64xi32>
    %add3A_78 = arith.addi %convert_element_type3A_24, %add3A_77 : vector<1x64xi32>
    %jit3A_79 = arith.constant 64 : i32
    %div3A_80 = vector.broadcast %jit3A_79 : i32 to vector<1x64xi32>
    %div3A_81 = arith.divsi %add3A_78, %div3A_80 : vector<1x64xi32>
    %sign3A_82 = arith.constant 0 : i32
    %sign3A_83 = vector.broadcast %sign3A_82 : i32 to vector<1x64xi32>
    %sign3A_84 = arith.cmpi sgt, %add3A_78, %sign3A_83 : vector<1x64xi32>
    %sign3A_85 = arith.extui %sign3A_84 : vector<1x64xi1> to vector<1x64xi32>
    %sign3A_86 = arith.constant 0 : i32
    %sign3A_87 = vector.broadcast %sign3A_86 : i32 to vector<1x64xi32>
    %sign3A_88 = arith.cmpi slt, %add3A_78, %sign3A_87 : vector<1x64xi32>
    %sign3A_89 = arith.extui %sign3A_88 : vector<1x64xi1> to vector<1x64xi32>
    %sign3A_90 = arith.subi %sign3A_85, %sign3A_89 : vector<1x64xi32>
    %sign3A_91 = arith.constant 0 : i32
    %sign3A_92 = arith.cmpi sgt, %jit3A_79, %sign3A_91 : i32
    %sign3A_93 = arith.extui %sign3A_92 : i1 to i32
    %sign3A_94 = arith.constant 0 : i32
    %sign3A_95 = arith.cmpi slt, %jit3A_79, %sign3A_94 : i32
    %sign3A_96 = arith.extui %sign3A_95 : i1 to i32
    %sign3A_97 = arith.subi %sign3A_93, %sign3A_96 : i32
    %ne3A_98 = vector.broadcast %sign3A_97 : i32 to vector<1x64xi32>
    %ne3A_99 = arith.cmpi ne, %sign3A_90, %ne3A_98 : vector<1x64xi32>
    %rem3A_100 = vector.broadcast %jit3A_79 : i32 to vector<1x64xi32>
    %rem3A_101 = arith.remsi %add3A_78, %rem3A_100 : vector<1x64xi32>
    %ne3A_102 = arith.constant 0 : i32
    %ne3A_103 = vector.broadcast %ne3A_102 : i32 to vector<1x64xi32>
    %ne3A_104 = arith.cmpi ne, %rem3A_101, %ne3A_103 : vector<1x64xi32>
    %and3A_105 = arith.andi %ne3A_99, %ne3A_104 : vector<1x64xi1>
    %sub3A_106 = arith.constant 1 : i32
    %sub3A_107 = vector.broadcast %sub3A_106 : i32 to vector<1x64xi32>
    %sub3A_108 = arith.subi %div3A_81, %sub3A_107 : vector<1x64xi32>
    %select_n3A_109 = arith.select %and3A_105, %sub3A_108, %div3A_81 : vector<1x64xi1>, vector<1x64xi32>
    %swap3A_110 = arith.constant 0 : index
    %swap3A_111 = arith.constant 0 : index
    %swap3A_112 = vector.load %arg5[%swap3A_110, %swap3A_111] : memref<1x64xi32, #tpu.memory_space<vmem>>, vector<1x64xi32>
    tpu.vector_store %arg5[%swap3A_110, %swap3A_111], %select_n3A_109 {strides = array<i32>} : memref<1x64xi32, #tpu.memory_space<vmem>>, vector<1x64xi32>,
    return
  }
}

module attributes {stable_mosaic.version = 14 : i64} {
  func.func @_moe_body(%arg0: i32, %arg1: memref<64xi32, #tpu.memory_space<smem>>, %arg2: memref<64xi32, #tpu.memory_space<smem>>, %arg3: memref<2816x768xf32, #tpu.memory_space<vmem>>, %arg4: memref<2816x128xf32, #tpu.memory_space<vmem>>, %arg5: memref<1x768x1024xf32, #tpu.memory_space<vmem>>, %arg6: memref<1x768x1024xf32, #tpu.memory_space<vmem>>, %arg7: memref<1x1024x768xf32, #tpu.memory_space<vmem>>, %arg8: memref<2816x768xf32, #tpu.memory_space<vmem>>) attributes {dimension_semantics = [#tpu.dimension_semantics<arbitrary>], iteration_bounds = array<i64: 64>, scalar_prefetch = 2 : i64, scratch_operands = 0 : i64, tpu.core_type = #tpu.core_type<tc>, window_params = [{pipeline_mode = #tpu.pipeline_mode<synchronous>, transform_indices = @transform_0, window_bounds = array<i64: 2816, 768>}, {pipeline_mode = #tpu.pipeline_mode<synchronous>, transform_indices = @transform_1, window_bounds = array<i64: 2816, 128>}, {transform_indices = @transform_2, window_bounds = array<i64: 1, 768, 1024>}, {transform_indices = @transform_3, window_bounds = array<i64: 1, 768, 1024>}, {transform_indices = @transform_4, window_bounds = array<i64: 1, 1024, 768>}, {pipeline_mode = #tpu.pipeline_mode<synchronous>, transform_indices = @transform_5, window_bounds = array<i64: 2816, 768>}]} {
    %get3A = arith.index_cast %arg0 : i32 to index
    %get3A_0 = memref.load %arg1[%get3A] : memref<64xi32, #tpu.memory_space<smem>>
    %get3A_1 = arith.index_cast %arg0 : i32 to index
    %get3A_2 = memref.load %arg2[%get3A_1] : memref<64xi32, #tpu.memory_space<smem>>
    %get3A_3 = arith.constant 0 : index
    %get3A_4 = arith.constant 0 : index
    %get3A_5 = arith.constant 0 : index
    %get3A_6 = vector.load %arg5[%get3A_3, %get3A_4, %get3A_5] : memref<1x768x1024xf32, #tpu.memory_space<vmem>>, vector<1x768x1024xf32>
    %get3A_7 = vector.shape_cast %get3A_6 : vector<1x768x1024xf32> to vector<768x1024xf32>
    %convert_element_type3A = arith.truncf %get3A_7 : vector<768x1024xf32> to vector<768x1024xbf16>
    %get3A_8 = arith.constant 0 : index
    %get3A_9 = arith.constant 0 : index
    %get3A_10 = arith.constant 0 : index
    %get3A_11 = vector.load %arg6[%get3A_8, %get3A_9, %get3A_10] : memref<1x768x1024xf32, #tpu.memory_space<vmem>>, vector<1x768x1024xf32>
    %get3A_12 = vector.shape_cast %get3A_11 : vector<1x768x1024xf32> to vector<768x1024xf32>
    %convert_element_type3A_13 = arith.truncf %get3A_12 : vector<768x1024xf32> to vector<768x1024xbf16>
    %get3A_14 = arith.constant 0 : index
    %get3A_15 = arith.constant 0 : index
    %get3A_16 = arith.constant 0 : index
    %get3A_17 = vector.load %arg7[%get3A_14, %get3A_15, %get3A_16] : memref<1x1024x768xf32, #tpu.memory_space<vmem>>, vector<1x1024x768xf32>
    %get3A_18 = vector.shape_cast %get3A_17 : vector<1x1024x768xf32> to vector<1024x768xf32>
    %convert_element_type3A_19 = arith.truncf %get3A_18 : vector<1024x768xf32> to vector<1024x768xbf16>
    %while3A = arith.constant 0 : i32
    %while3A_20 = arith.constant 0 : i32
    %while3A_21 = arith.subi %get3A_2, %while3A_20 : i32
    %while3A_22 = arith.addi %while3A_20, %while3A_21 : i32
    %while3A_23 = arith.constant 1 : i32
    %while3A_24 = arith.divsi %while3A_21, %while3A_23 : i32
    %while3A_25 = arith.muli %while3A_24, %while3A_23 : i32
    %while3A_26 = arith.addi %while3A_20, %while3A_25 : i32
    %while3A_27 = arith.constant 1 : i32
    scf.for %while3A_29 = %while3A_20 to %while3A_26 step %while3A_27  : i32 {
      %mul3A = arith.constant 64 : i32
      %mul3A_30 = arith.muli %while3A_29, %mul3A : i32
      %add3A = arith.addi %get3A_0, %mul3A_30 : i32
      %multiple_of3A = tpu.assume_multiple %add3A, 8 : i32
      %get3A_31 = arith.index_cast %multiple_of3A : i32 to index
      %get3A_32 = arith.constant 0 : index
      %get3A_33 = vector.load %arg3[%get3A_31, %get3A_32] : memref<2816x768xf32, #tpu.memory_space<vmem>>, vector<64x768xf32>
      %convert_element_type3A_34 = arith.truncf %get3A_33 : vector<64x768xf32> to vector<64x768xbf16>
      %dot_general3A = arith.constant dense<0.000000e+00> : vector<64x1024xf32>
      %dot_general3A_35 = tpu.matmul %convert_element_type3A_34, %convert_element_type3A, %dot_general3A {dimension_numbers = #tpu.dot_dimension_numbers<[1], [0], [0], [1], [0, 0, 1, 1], [], []>, transpose_lhs_hint = false} : vector<64x768xbf16>, vector<768x1024xbf16>, vector<64x1024xf32> -> vector<64x1024xf32>
      %dot_general3A_36 = arith.constant dense<0.000000e+00> : vector<64x1024xf32>
      %dot_general3A_37 = tpu.matmul %convert_element_type3A_34, %convert_element_type3A_13, %dot_general3A_36 {dimension_numbers = #tpu.dot_dimension_numbers<[1], [0], [0], [1], [0, 0, 1, 1], [], []>, transpose_lhs_hint = false} : vector<64x768xbf16>, vector<768x1024xbf16>, vector<64x1024xf32> -> vector<64x1024xf32>
      %logistic3A = arith.negf %dot_general3A_35 : vector<64x1024xf32>
      %logistic3A_38 = math.exp %logistic3A : vector<64x1024xf32>
      %logistic3A_39 = arith.constant 1.000000e+00 : f32
      %logistic3A_40 = vector.broadcast %logistic3A_39 : f32 to vector<64x1024xf32>
      %logistic3A_41 = arith.addf %logistic3A_40, %logistic3A_38 : vector<64x1024xf32>
      %logistic3A_42 = arith.divf %logistic3A_40, %logistic3A_41 : vector<64x1024xf32>
      %mul3A_43 = arith.mulf %dot_general3A_35, %logistic3A_42 : vector<64x1024xf32>
      %mul3A_44 = arith.mulf %mul3A_43, %dot_general3A_37 : vector<64x1024xf32>
      %convert_element_type3A_45 = arith.truncf %mul3A_44 : vector<64x1024xf32> to vector<64x1024xbf16>
      %dot_general3A_46 = arith.constant dense<0.000000e+00> : vector<64x768xf32>
      %dot_general3A_47 = tpu.matmul %convert_element_type3A_45, %convert_element_type3A_19, %dot_general3A_46 {dimension_numbers = #tpu.dot_dimension_numbers<[1], [0], [0], [1], [0, 0, 1, 1], [], []>, transpose_lhs_hint = false} : vector<64x1024xbf16>, vector<1024x768xbf16>, vector<64x768xf32> -> vector<64x768xf32>
      %get3A_48 = arith.index_cast %multiple_of3A : i32 to index
      %get3A_49 = arith.constant 0 : index
      %get3A_50 = vector.load %arg4[%get3A_48, %get3A_49] : memref<2816x128xf32, #tpu.memory_space<vmem>>, vector<64x1xf32>
      %mul3A_51 = vector.broadcast %get3A_50 : vector<64x1xf32> to vector<64x768xf32>
      %mul3A_52 = arith.mulf %dot_general3A_47, %mul3A_51 : vector<64x768xf32>
      %swap3A = arith.index_cast %multiple_of3A : i32 to index
      %swap3A_53 = arith.constant 0 : index
      %swap3A_54 = vector.load %arg8[%swap3A, %swap3A_53] : memref<2816x768xf32, #tpu.memory_space<vmem>>, vector<64x768xf32>
      tpu.vector_store %arg8[%swap3A, %swap3A_53], %mul3A_52 {strides = array<i32>} : memref<2816x768xf32, #tpu.memory_space<vmem>>, vector<64x768xf32>,
    }
    %while3A_28 = arith.constant 1 : i32
    scf.for %while3A_29 = %while3A_26 to %while3A_22 step %while3A_28  : i32 {
      %mul3A = arith.constant 64 : i32
      %mul3A_30 = arith.muli %while3A_29, %mul3A : i32
      %add3A = arith.addi %get3A_0, %mul3A_30 : i32
      %multiple_of3A = tpu.assume_multiple %add3A, 8 : i32
      %get3A_31 = arith.index_cast %multiple_of3A : i32 to index
      %get3A_32 = arith.constant 0 : index
      %get3A_33 = vector.load %arg3[%get3A_31, %get3A_32] : memref<2816x768xf32, #tpu.memory_space<vmem>>, vector<64x768xf32>
      %convert_element_type3A_34 = arith.truncf %get3A_33 : vector<64x768xf32> to vector<64x768xbf16>
      %dot_general3A = arith.constant dense<0.000000e+00> : vector<64x1024xf32>
      %dot_general3A_35 = tpu.matmul %convert_element_type3A_34, %convert_element_type3A, %dot_general3A {dimension_numbers = #tpu.dot_dimension_numbers<[1], [0], [0], [1], [0, 0, 1, 1], [], []>, transpose_lhs_hint = false} : vector<64x768xbf16>, vector<768x1024xbf16>, vector<64x1024xf32> -> vector<64x1024xf32>
      %dot_general3A_36 = arith.constant dense<0.000000e+00> : vector<64x1024xf32>
      %dot_general3A_37 = tpu.matmul %convert_element_type3A_34, %convert_element_type3A_13, %dot_general3A_36 {dimension_numbers = #tpu.dot_dimension_numbers<[1], [0], [0], [1], [0, 0, 1, 1], [], []>, transpose_lhs_hint = false} : vector<64x768xbf16>, vector<768x1024xbf16>, vector<64x1024xf32> -> vector<64x1024xf32>
      %logistic3A = arith.negf %dot_general3A_35 : vector<64x1024xf32>
      %logistic3A_38 = math.exp %logistic3A : vector<64x1024xf32>
      %logistic3A_39 = arith.constant 1.000000e+00 : f32
      %logistic3A_40 = vector.broadcast %logistic3A_39 : f32 to vector<64x1024xf32>
      %logistic3A_41 = arith.addf %logistic3A_40, %logistic3A_38 : vector<64x1024xf32>
      %logistic3A_42 = arith.divf %logistic3A_40, %logistic3A_41 : vector<64x1024xf32>
      %mul3A_43 = arith.mulf %dot_general3A_35, %logistic3A_42 : vector<64x1024xf32>
      %mul3A_44 = arith.mulf %mul3A_43, %dot_general3A_37 : vector<64x1024xf32>
      %convert_element_type3A_45 = arith.truncf %mul3A_44 : vector<64x1024xf32> to vector<64x1024xbf16>
      %dot_general3A_46 = arith.constant dense<0.000000e+00> : vector<64x768xf32>
      %dot_general3A_47 = tpu.matmul %convert_element_type3A_45, %convert_element_type3A_19, %dot_general3A_46 {dimension_numbers = #tpu.dot_dimension_numbers<[1], [0], [0], [1], [0, 0, 1, 1], [], []>, transpose_lhs_hint = false} : vector<64x1024xbf16>, vector<1024x768xbf16>, vector<64x768xf32> -> vector<64x768xf32>
      %get3A_48 = arith.index_cast %multiple_of3A : i32 to index
      %get3A_49 = arith.constant 0 : index
      %get3A_50 = vector.load %arg4[%get3A_48, %get3A_49] : memref<2816x128xf32, #tpu.memory_space<vmem>>, vector<64x1xf32>
      %mul3A_51 = vector.broadcast %get3A_50 : vector<64x1xf32> to vector<64x768xf32>
      %mul3A_52 = arith.mulf %dot_general3A_47, %mul3A_51 : vector<64x768xf32>
      %swap3A = arith.index_cast %multiple_of3A : i32 to index
      %swap3A_53 = arith.constant 0 : index
      %swap3A_54 = vector.load %arg8[%swap3A, %swap3A_53] : memref<2816x768xf32, #tpu.memory_space<vmem>>, vector<64x768xf32>
      tpu.vector_store %arg8[%swap3A, %swap3A_53], %mul3A_52 {strides = array<i32>} : memref<2816x768xf32, #tpu.memory_space<vmem>>, vector<64x768xf32>,
    }
    return
  }
  func.func @transform_0(%arg0: i32, %arg1: memref<64xi32, #tpu.memory_space<smem>>, %arg2: memref<64xi32, #tpu.memory_space<smem>>) -> (i32, i32) {
    %c0_i32 = arith.constant 0 : i32
    %c0_i32_0 = arith.constant 0 : i32
    %c0_i32_1 = arith.constant 0 : i32
    return %c0_i32, %c0_i32_0 : i32, i32
  }
  func.func @transform_1(%arg0: i32, %arg1: memref<64xi32, #tpu.memory_space<smem>>, %arg2: memref<64xi32, #tpu.memory_space<smem>>) -> (i32, i32) {
    %c0_i32 = arith.constant 0 : i32
    %c0_i32_0 = arith.constant 0 : i32
    %c0_i32_1 = arith.constant 0 : i32
    return %c0_i32, %c0_i32_0 : i32, i32
  }
  func.func @transform_2(%arg0: i32, %arg1: memref<64xi32, #tpu.memory_space<smem>>, %arg2: memref<64xi32, #tpu.memory_space<smem>>) -> (i32, i32, i32) {
    %c0_i32 = arith.constant 0 : i32
    %c0_i32_0 = arith.constant 0 : i32
    %c0_i32_1 = arith.constant 0 : i32
    return %arg0, %c0_i32, %c0_i32_0 : i32, i32, i32
  }
  func.func @transform_3(%arg0: i32, %arg1: memref<64xi32, #tpu.memory_space<smem>>, %arg2: memref<64xi32, #tpu.memory_space<smem>>) -> (i32, i32, i32) {
    %c0_i32 = arith.constant 0 : i32
    %c0_i32_0 = arith.constant 0 : i32
    %c0_i32_1 = arith.constant 0 : i32
    return %arg0, %c0_i32, %c0_i32_0 : i32, i32, i32
  }
  func.func @transform_4(%arg0: i32, %arg1: memref<64xi32, #tpu.memory_space<smem>>, %arg2: memref<64xi32, #tpu.memory_space<smem>>) -> (i32, i32, i32) {
    %c0_i32 = arith.constant 0 : i32
    %c0_i32_0 = arith.constant 0 : i32
    %c0_i32_1 = arith.constant 0 : i32
    return %arg0, %c0_i32, %c0_i32_0 : i32, i32, i32
  }
  func.func @transform_5(%arg0: i32, %arg1: memref<64xi32, #tpu.memory_space<smem>>, %arg2: memref<64xi32, #tpu.memory_space<smem>>) -> (i32, i32) {
    %c0_i32 = arith.constant 0 : i32
    %c0_i32_0 = arith.constant 0 : i32
    %c0_i32_1 = arith.constant 0 : i32
    return %c0_i32, %c0_i32_0 : i32, i32
  }
}

</mosaic_0001>

<sc_bundles>
// kernel: kernel.6.cloned.1.call-start
scs
__scs_entry_jumppad:
0x0: {  	(pc) =	sbr.rel $0x88, $3  }
0x1: {  	(tag) =	ssettag $0x0;
	lr =	simm.s32 $0x1  }
0x2: {  	[smem:$0x3F9B] =	sst lr;
	_ =	strace $0xD0000000  }
0x3: {  	_ = 	snop  }
0x4: {  	_ = 	snop  }
0x5: {  	_ = 	snop  }
0x6: {  	_ = 	snop  }
0x7: {  	_ = 	snop  }
__scs_overlays_trampoline_lowered:
0x8: {  	[smem:$0x3FAA] =	sst s0  }
0x9: {  	[smem:$0x3FAB] =	sst s1  }
0xa: {  	[smem:$0x3FAC] =	sst s2  }
0xb: {  	[smem:$0x3FAD] =	sst s3  }
0xc: {  	[smem:$0x3FAE] =	sst s4  }
0xd: {  	[smem:$0x3FAF] =	sst s5  }
0xe: {  	[smem:$0x3FB0] =	sst s6  }
0xf: {  	[smem:$0x3FB1] =	sst s7  }
0x10: {  	[smem:$0x3FB2] =	sst s8  }
0x11: {  	[smem:$0x3FB3] =	sst s9;
	s0 =	simm.s32 @!p0 $0x0  }
0x12: {  	s1 =	sld [smem:$0x3F99];
	s0 =	simm.s32 @p0 $0x1  }
0x13: {  	[smem:$0x3FB4] =	sst s0;
	s0 =	simm.s32 @!p1 $0x0  }
0x14: {  	s2 =	sld [smem:$0x3F98];
	s0 =	simm.s32 @p1 $0x1  }
0x15: {  	[smem:$0x3FB5] =	sst s0;
	s0 =	simm.s32 @!p2 $0x0  }
0x16: {  	s3 =	sld [smem:$0x3FDB];
	s0 =	simm.s32 @p2 $0x1  }
0x17: {  	s4 =	simm.s32 $0x1BF5;
	[smem:$0x3FB7] =	sst s0  }
0x18: {  	s0 =	sld [smem:$0x3F9A];
	_ =	swait.ge [sflag:s4], $0x0  }
0x19: {  	s7 =	sld [smem:$0x3F9B]  }
0x1a: {  	s8 =	sadd.s32 $0xFFFFE003, lr  }
0x1b: {  	s9 =	sadd.s32 $0xFFFFFEF7, lr;
	s5 =	simm.s32 $0xFFFFFFFF;
	p2 =	slt.u32 s8, $0xFFFFF086  }
0x1c: {  	p1 =	slt.u32 s9, $0xF7A;
	s5 =	simm.s32 @!p2 $0x0  }
0x1d: {  	s5 =	simm.s32 @p1 $0x1;
	p0 =	seq.s32 s7, s2  }
0x1e: {  	s7 =	smul.u32 @!p0 $0xF7A, s2;
	p2 =	seq.s32 @!p0 s5, $0x0  }
0x1f: {  	s9 =	smul.u32 $0xF7A, s1;
	s8 =	simm.s32 @!p0 $0x1BF5;
	p2 =	por !p2, p0  }
0x20: {  	[sflag:s8] =	ssyncset.s32 @!p0 $0xFFFFF086;
	s6 =	sadd.s32 @!p0 s3, s7;
	s7 =	simm.s32 @!p0 $0x108  }
0x21: {  	s3 =	sadd.s32 s3, s9;
	s6 =	sadd.s32 @!p0 $0x88, s6;
	s7 =	simm.s32 @p2 $0x1082  }
0x22: {  	[simem:s7], [sflag:s8] =	dma.local @!p0 [hbm:s6], $0xF7A  }
0x23: {  	s9 =	sor.u32 $0xD0000000, s2;
	s6 =	simm.s32 $0x108;
	_ =	swait.ge @!p0 [sflag:s8], $0x0  }
0x24: {  	s3 =	sadd.s32 $0x88, s3;
	s6 =	simm.s32 @!p1 $0x1082;
	[sflag:s4] =	ssyncset.s32 $0xFFFFF086  }
0x25: {  	[simem:s6], [sflag:s4] =	dma.local [hbm:s3], $0xF7A  }
0x26: {  	[smem:$0x3F9B] =	sst s1;
	(tag) =	ssettag s2;
	_ =	strace s9  }
0x27: {  	s1 =	sld [smem:$0x3FAB]  }
0x28: {  	s2 =	sld [smem:$0x3FAC]  }
0x29: {  	s4 =	sld [smem:$0x3FAE]  }
0x2a: {  	p0 =	seq.s32 s5, $0x0;
	s5 =	sld [smem:$0x3FAF]  }
0x2b: {  	s6 =	sld [smem:$0x3FB0]  }
0x2c: {  	s7 =	sld [smem:$0x3FB1]  }
0x2d: {  	s3 =	simm.s32 $0x108;
	s8 =	sld [smem:$0x3FB2]  }
0x2e: {  	s3 =	simm.s32 @!p0 $0x1082;
	s9 =	sld [smem:$0x3FB3]  }
0x2f: {  	lr =	sadd.s32 s0, s3;
	s0 =	sld [smem:$0x3FAA]  }
0x30: {  	s3 =	sld [smem:$0x3FAD]  }
0x31: {  	[smem:$0x3FB6] =	sst s10  }
0x32: {  	s10 =	sld [smem:$0x3FB4];
	_ =	sdelay $0x3  }
0x33: {  	p0 =	seq.s32 s10, $0x1;
	s10 =	sld [smem:$0x3FB6];
	_ =	sdelay $0x3  }
0x34: {  	[smem:$0x3FB6] =	sst s10  }
0x35: {  	s10 =	sld [smem:$0x3FB5];
	_ =	sdelay $0x3  }
0x36: {  	p1 =	seq.s32 s10, $0x1;
	s10 =	sld [smem:$0x3FB6];
	_ =	sdelay $0x3  }
0x37: {  	[smem:$0x3FB6] =	sst s10  }
0x38: {  	s10 =	sld [smem:$0x3FB7]  }
0x39: {  	_ = 	snop;
	(pc) =	sbr.ind lr, $3  }
0x3a: {  	_ = 	snop  }
0x3b: {  	_ = 	snop  }
0x3c: {  	p2 =	seq.s32 s10, $0x1;
	s10 =	sld [smem:$0x3FB6]  }
0x3d: {  	_ =	shalt  }
0x3e: {  	_ =	shalt  }
0x3f: {  	_ =	shalt  }
0x40: {  	_ =	shalt  }
0x41: {  	_ =	shalt  }
0x42: {  	_ =	shalt  }
0x43: {  	_ =	shalt  }
0x44: {  	_ =	shalt  }
0x45: {  	_ =	shalt  }
0x46: {  	_ =	shalt  }
0x47: {  	_ =	shalt  }
0x48: {  	_ =	shalt  }
0x49: {  	_ =	shalt  }
0x4a: {  	_ =	shalt  }
0x4b: {  	_ =	shalt  }
0x4c: {  	_ =	shalt  }
0x4d: {  	_ =	shalt  }
0x4e: {  	_ =	shalt  }
0x4f: {  	_ =	shalt  }
0x50: {  	_ =	shalt  }
0x51: {  	_ =	shalt  }
0x52: {  	_ =	shalt  }
0x53: {  	_ =	shalt  }
0x54: {  	_ =	shalt  }
0x55: {  	_ =	shalt  }
0x56: {  	_ =	shalt  }
0x57: {  	_ =	shalt  }
0x58: {  	_ =	shalt  }
0x59: {  	_ =	shalt  }
0x5a: {  	_ =	shalt  }
0x5b: {  	_ =	shalt  }
0x5c: {  	_ =	shalt  }
0x5d: {  	_ =	shalt  }
0x5e: {  	_ =	shalt  }
0x5f: {  	_ =	shalt  }
0x60: {  	_ =	shalt  }
0x61: {  	_ =	shalt  }
0x62: {  	_ =	shalt  }
0x63: {  	_ =	shalt  }
0x64: {  	_ =	shalt  }
0x65: {  	_ =	shalt  }
0x66: {  	_ =	shalt  }
0x67: {  	_ =	shalt  }
0x68: {  	_ =	shalt  }
0x69: {  	_ =	shalt  }
0x6a: {  	_ =	shalt  }
0x6b: {  	_ =	shalt  }
0x6c: {  	_ =	shalt  }
0x6d: {  	_ =	shalt  }
0x6e: {  	_ =	shalt  }
0x6f: {  	_ =	shalt  }
0x70: {  	_ =	shalt  }
0x71: {  	_ =	shalt  }
0x72: {  	_ =	shalt  }
0x73: {  	_ =	shalt  }
0x74: {  	_ =	shalt  }
0x75: {  	_ =	shalt  }
0x76: {  	_ =	shalt  }
0x77: {  	_ =	shalt  }
0x78: {  	_ =	shalt  }
0x79: {  	_ =	shalt  }
0x7a: {  	_ =	shalt  }
0x7b: {  	_ =	shalt  }
0x7c: {  	_ =	shalt  }
0x7d: {  	_ =	shalt  }
0x7e: {  	_ =	shalt  }
0x7f: {  	_ =	shalt  }
0x80: {  	_ =	shalt  }
0x81: {  	_ =	shalt  }
0x82: {  	_ =	shalt  }
0x83: {  	_ =	shalt  }
0x84: {  	_ =	shalt  }
0x85: {  	_ =	shalt  }
0x86: {  	_ =	shalt  }
0x87: {  	_ =	shalt  }
.Lfunc_end0:
.L_simem_size_0:
called_computation_lowered:
.L_overlay_start_0:
0x88: {  	s2 =	sld [smem:$0x3FD9]  }
0x89: {  	s3 =	sld [smem:$0x3FFE];
	_ =	sdelay $0x1  }
0x8a: {  	s1 =	srdreg.scid  }
0x8b: {  	s0 =	sand.u32 $0x1, s1  }
0x8c: {  	s17 =	sshll.u32 s0, $0xA;
	s2 =	sadd.s32 s3, s2  }
0x8d: {  	s2 =	sadd.s32 s2, s17  }
0x8e: {  	[smem:$0x3FC2] =	sst s2  }
0x8f: {  	_ = 	snop  }
0x90: {  	s2 =	sld [smem:$0x3FC9]  }
0x91: {  	s18 =	sld [smem:$0x3FD0];
	(tm) =	ssettm $0x1  }
0x92: {  	s4 =	sld [smem:$0x3FFB];
	_ =	sdelay $0x3  }
0x93: {  	_ =	strace s4  }
0x94: {  	s4 =	sld [smem:$0x3FFC];
	_ =	sdelay $0x3  }
0x95: {  	_ =	strace s4  }
0x96: {  	s4 =	sld [smem:$0x3FFD];
	_ =	sdelay $0x3  }
0x97: {  	_ =	strace s4  }
0x98: {  	_ =	strace $0x8FFFFFFF  }
0x99: {  	s19 =	sld [smem:$0x3FDB];
	_ =	sdelay $0x1  }
0x9a: {  	s5 =	simm.s32 $_scs_section_size  }
0x9b: {  	s6 =	simm.s32 $_size__tile_overlayer_lowered;
	s7 =	simm.s32 $_tile_overlayer_lowered  }
0x9c: {  	s22 =	simm.s32 $0x1BFF;
	s21 =	sshll.u32 s7, $0x1;
	s4 =	sadd.s32 s5, s19  }
0x9d: {  	s8 =	simm.s32 $0x0;
	s20 =	sshll.u32 s6, $0x1;
	s6 =	sadd.s32 s21, s4  }
0x9e: {  	[timem:s8], [sflag:s22] =	dma.local [hbm:s6], s20  }
0x9f: {  	_ =	swait.ge [sflag:s22], s20  }
0xa0: {  	s5 =	ssub.s32 $0x0, s20;
	[sflag:s22] =	ssyncset.done $0x0  }
0xa1: {  	[sflag:s22] =	ssyncadd.s32 s5;
	_ =	sdelay $0x1  }
0xa2: {  	s23 =	simm.s32 $0x1B8B  }
0xa3: {  	_ =	swait.ge [sflag:s23], $0x1  }
0xa4: {  	[sflag:s23] =	ssyncset.done $0x0  }
0xa5: {  	s25 =	simm.s32 $0x1B8E;
	s24 =	sld [smem:$0x3FFE];
	[sflag:s23] =	ssyncadd.s32 $0xFFFFFFFF  }
0xa6: {  	s26 =	simm.s32 $execute0_lowered;
	[smem:$0x3FD2] =	sst s25  }
0xa7: {  	s6 =	sshll.u32 s26, $0x1;
	_ =	strace $0x80000046;
	[dreg:$0x1] =	wrdreg $0xFFFFFFFF  }
0xa8: {  	s28 =	simm.s32 $_size_execute0_lowered;
	s4 =	sadd.s32 s4, s6;
	[dreg:$0x0] =	wrdreg $0x0  }
0xa9: {  	s6 =	sshll.u32 s28, $0x1;
	[dreg:$0x2] =	wrdreg s4  }
0xaa: {  	[dreg:$0x3] =	wrdreg s6  }
0xab: {  	[dreg:$0x4] =	wrdreg $0xC0  }
0xac: {  	_ =	task [dreg:s8], $0x5FFFF  }
0xad: {  	[dreg:$0x1] =	wrdreg $0xFFFFFFFF  }
0xae: {  	[dreg:$0x0] =	wrdreg $0x60  }
0xaf: {  	[dreg:$0x2] =	wrdreg s2  }
0xb0: {  	[dreg:$0x3] =	wrdreg s24  }
0xb1: {  	[dreg:$0x4] =	wrdreg s18  }
0xb2: {  	[dreg:$0x5] =	wrdreg $0x9  }
0xb3: {  	_ =	task.clear_ibuf [dreg:s8], $0x6FFFF;
	_ =	strace $0x90000046  }
0xb4: {  	s29 =	simm.s32 $0x9;
	_ =	strace $0x80000048  }
0xb5: {  	_ =	swait.ge [sflag:s29], $0x1  }
0xb6: {  	[sflag:s29] =	ssyncadd.s32 $0xFFFFFFFF  }
0xb7: {  	_ =	strace $0x90000048  }
0xb8: {  	_ =	sfence  }
0xb9: {  	s30 =	sld [smem:$0x0];
	_ =	sdelay $0x2  }
0xba: {  	s31 =	sshll.u32 s1, $0xD;
	s1 =	sshrl.u32 s1, $0x2  }
0xbb: {  	s3 =	sand.u32 $0x4000, s31;
	s1 =	sadd.s32 s1, s30  }
0xbc: {  	s0 =	sor.u32 s3, s0;
	s1 =	sshll.u32 s1, $0x11  }
0xbd: {  	s0 =	sor.u32 s1, s0  }
0xbe: {  	s0 =	sadd.s32 $0x8F2B, s0  }
0xbf: {  	[sflag:s0] =	ssyncadd.remote.s32 $0x1  }
0xc0: {  	_ =	sfence.sel $0xFFFF  }
0xc1: {  	[dreg:$0x0] =	wrdreg $0xFFFFFFFF;
	(pc) =	sbr.abs _section_cstart, $3  }
0xc2: {  	[dreg:$0x1] =	wrdreg $0xFFFFFFFF  }
0xc3: {  	_ =	task.clear_ibuf [dreg:s8], $0x2FFFF;
	_ =	strace $0x9FFFFFFF  }
0xc4: {  	(tm) =	ssettm $0x7FFFFFFF  }
0xc5: {  	_ =	shalt  }
tec
execute0_lowered:
.L_overlay_start_1:
0x0: {  	(tag) =	ssettag $0x1  }
0x1: {  	s0 =	rddreg [dreg:$0x0]  }
0x2: {  	s5 =	rddreg [dreg:$0x1]  }
0x3: {  	s1 =	rddreg [dreg:$0x2]  }
0x4: {  	s3 =	srdreg.scid;
	s17 =	stileid.u32;
	s2 =	simm.s32 $0x0  }
0x5: {  	s21 =	simm.s32 $0x880;
	s22 =	simm.s32 $0x1080;
	s23 =	simm.s32 $0x1880  }
0x6: {  	s24 =	simm.s32 $0x2080;
	s25 =	simm.s32 $0x2880;
	s26 =	simm.s32 $0x3080  }
0x7: {  	s9 =	simm.s32 $0xC080;
	s10 =	simm.s32 $0x1;
	s12 =	simm.s32 $0x4080  }
0x8: {  	s13 =	simm.s32 $0x4880;
	s14 =	simm.s32 $0x5080;
	[dreg:$0x4] =	wrdreg s1  }
0x9: {  	s15 =	simm.s32 $0x5880;
	s16 =	simm.s32 $0x6080;
	[smem:$0x7FF] =	sst s2  }
0xa: {  	s28 =	simm.s32 $0xB880;
	_ =	strace $0x80000047;
	[dreg:$0x8] =	wrdreg s21  }
0xb: {  	s29 =	simm.s32 $0x2;
	s30 =	simm.s32 $0x40;
	[dreg:$0x9] =	wrdreg s22  }
0xc: {  	s31 =	simm.s32 $0x3;
	s4 =	sand.u32 $0x1, s3;
	[dreg:$0xa] =	wrdreg s23  }
0xd: {  	s18 =	sshll.u32 s17, $0x1;
	s17 =	simm.s32 $0x6880;
	[dreg:$0xb] =	wrdreg s24  }
0xe: {  	s3 =	sor.u32 s4, s18;
	s4 =	ssub.s32 $0x2, s4;
	[dreg:$0xc] =	wrdreg s25  }
0xf: {  	[dreg:$0xd] =	wrdreg s26;
	s18 =	simm.s32 $0x7080;
	s21 =	simm.s32 $0x8880  }
0x10: {  	s22 =	simm.s32 $0x9080;
	s23 =	simm.s32 $0x9880;
	s24 =	simm.s32 $0xA080  }
0x11: {  	s25 =	simm.s32 $0xA880;
	s26 =	simm.s32 $0xB080;
	s6 =	sshll.u32 s3, $0x4  }
0x12: {  	s7 =	sshll.u32 s3, $0xA;
	s8 =	smul.u32 $0x1800, s3;
	s6 =	sadd.s32 s6, s5  }
0x13: {  	s3 =	sadd.s32 $0x9400, s5;
	s19 =	sshrl.u32 s4, $0x1;
	s6 =	sadd.s32 $0x9200, s6  }
0x14: {  	s7 =	sadd.s32 s7, s5;
	s0 =	sadd.s32 s0, s8;
	[dreg:$0x5] =	wrdreg s6  }
0x15: {  	s20 =	sadd.s32 $0x1200, s7;
	s7 =	simm.s32 $0x5;
	[dreg:$0x6] =	wrdreg s0  }
0x16: {  	v2 =	vlaneseq.u32;
	s8 =	simm.s32 $0x80;
	s6 =	ssub.s32 s4, s19;
	[dreg:$0x7] =	wrdreg s20  }
0x17: {  	vm0 =	vmmov $0xffff;
	v1 =	vshrl.u32 v2, $0x3;
	s4 =	sadd.s32 $0x9500, s5;
	s5 =	sadd.s32 $0x9600, s5;
	s19 =	simm.s32 $0x7880  }
0x18: {  	v0 =	vand.u32 $0x7, v2;
	v2 =	vor.u32 $0x8, v2;
	v1 =	vmul.u32 $0x8, v1;
	s20 =	simm.s32 $0x8080;
	s0 =	simm.s32 $0x4;
	s6 =	smax.u32 s6, $0x1  }
.LBB2_1:
0x19: {  	s1 =	rddreg [dreg:$0x5]  }
0x1a: {  	[tilespmem:s2], [sflag:$0x5] =	stream.linear.gather [hbm4b:s1+s2], $0x80, $0x38;
	[tilespmem:$0xE080] =	vst v63  }
0x1b: {  	_ =	swait.ge [sflag:s7], $0x80  }
0x1c: {  	[sflag:s7] =	ssyncset.done $0x0  }
0x1d: {  	s1 =	rddreg [dreg:$0x6];
	[sflag:s7] =	ssyncadd.s32 $0xFFFFFF80  }
0x1e: {  	[tilespmem:s8], [sflag:$0x1] =	stream.linear.gather [hbm4b:s1+s2], $0xC000, $0x38;
	[tilespmem:$0xE080] =	vst v63  }
0x1f: {  	s11 =	rddreg [dreg:$0x7]  }
0x20: {  	[tilespmem:s9], [sflag:$0x2] =	stream.linear.gather [hbm4b:s11+s2], $0x2000, $0x38;
	[tilespmem:$0xE080] =	vst v63  }
0x21: {  	_ =	swait.ge [sflag:s10], $0xC000  }
0x22: {  	[sflag:s10] =	ssyncset.done $0x0  }
0x23: {  	[sflag:s10] =	ssyncadd.s32 $0xFFFF4000  }
0x24: {  	v3 =	vld [tilespmem:$0x0];
	_ =	sdelay $0x4  }
0x25: {  	v4 =	vshrl.u32 v3, $0x3  }
0x26: {  	v4 =	vmul.u32 $0x30, v4  }
0x27: {  	v3 =	vand.u32 $0x7, v3  }
0x28: {  	v3 =	vor.u32 v3, v4  }
0x29: {  	v4 =	vperm.xlane v3, v0;
	_ =	sdelay $0x1  }
0x2a: {  	v4 =	vadd.s32 v1, v4;
	_ =	sdelay $0x3  }
0x2b: {  	v3 =	vperm.xlane v3, v2  }
0x2c: {  	[hbm4b:s3+s2] =	stream.indirect_vreg.scatter [tilespmem:s8], [sflag:$0x3], $0x80, v4, vm0, $0xb8;
	[tilespmem:$0xE080] =	vst v63  }
0x2d: {  	s1 =	rddreg [dreg:$0x8];
	v3 =	vadd.s32 v1, v3  }
0x2e: {  	[hbm4b:s4+s2] =	stream.indirect_vreg.scatter [tilespmem:s1], [sflag:$0x3], $0x80, v4, vm0, $0xb8;
	[tilespmem:$0xE080] =	vst v63  }
0x2f: {  	s11 =	rddreg [dreg:$0x9]  }
0x30: {  	[hbm4b:s5+s2] =	stream.indirect_vreg.scatter [tilespmem:s11], [sflag:$0x3], $0x80, v4, vm0, $0xb8;
	[tilespmem:$0xE080] =	vst v63  }
0x31: {  	s1 =	rddreg [dreg:$0xa]  }
0x32: {  	[hbm4b:s3+s2] =	stream.indirect_vreg.scatter [tilespmem:s1], [sflag:$0x3], $0x80, v3, vm0, $0xb8;
	[tilespmem:$0xE080] =	vst v63  }
0x33: {  	s11 =	rddreg [dreg:$0xb]  }
0x34: {  	[hbm4b:s4+s2] =	stream.indirect_vreg.scatter [tilespmem:s11], [sflag:$0x3], $0x80, v3, vm0, $0xb8;
	[tilespmem:$0xE080] =	vst v63  }
0x35: {  	s1 =	rddreg [dreg:$0xc]  }
0x36: {  	[hbm4b:s5+s2] =	stream.indirect_vreg.scatter [tilespmem:s1], [sflag:$0x3], $0x80, v3, vm0, $0xb8;
	[tilespmem:$0xE080] =	vst v63  }
0x37: {  	v3 =	vld [tilespmem:$0x10];
	_ =	sdelay $0x4  }
0x38: {  	v61 =	vshrl.u32 v3, $0x3  }
0x39: {  	v4 =	vmul.u32 $0x30, v61  }
0x3a: {  	v3 =	vand.u32 $0x7, v3  }
0x3b: {  	v3 =	vor.u32 v3, v4  }
0x3c: {  	v4 =	vperm.xlane v3, v0;
	_ =	sdelay $0x1  }
0x3d: {  	v4 =	vadd.s32 v1, v4;
	_ =	sdelay $0x3  }
0x3e: {  	s11 =	rddreg [dreg:$0xd];
	v3 =	vperm.xlane v3, v2  }
0x3f: {  	[hbm4b:s3+s2] =	stream.indirect_vreg.scatter [tilespmem:s11], [sflag:$0x3], $0x80, v4, vm0, $0xb8;
	[tilespmem:$0xE080] =	vst v63  }
0x40: {  	v3 =	vadd.s32 v1, v3;
	s11 =	simm.s32 $0x3880  }
0x41: {  	[hbm4b:s4+s2] =	stream.indirect_vreg.scatter [tilespmem:s11], [sflag:$0x3], $0x80, v4, vm0, $0xb8;
	[tilespmem:$0xE080] =	vst v63  }
0x42: {  	_ = 	snop  }
0x43: {  	[hbm4b:s5+s2] =	stream.indirect_vreg.scatter [tilespmem:s12], [sflag:$0x3], $0x80, v4, vm0, $0xb8;
	[tilespmem:$0xE080] =	vst v63  }
0x44: {  	_ = 	snop  }
0x45: {  	[hbm4b:s3+s2] =	stream.indirect_vreg.scatter [tilespmem:s13], [sflag:$0x3], $0x80, v3, vm0, $0xb8;
	[tilespmem:$0xE080] =	vst v63  }
0x46: {  	_ = 	snop  }
0x47: {  	[hbm4b:s4+s2] =	stream.indirect_vreg.scatter [tilespmem:s14], [sflag:$0x3], $0x80, v3, vm0, $0xb8;
	[tilespmem:$0xE080] =	vst v63  }
0x48: {  	_ = 	snop  }
0x49: {  	[hbm4b:s5+s2] =	stream.indirect_vreg.scatter [tilespmem:s15], [sflag:$0x3], $0x80, v3, vm0, $0xb8;
	[tilespmem:$0xE080] =	vst v63  }
0x4a: {  	v3 =	vld [tilespmem:$0x20];
	_ =	sdelay $0x4  }
0x4b: {  	v62 =	vshrl.u32 v3, $0x3  }
0x4c: {  	v4 =	vmul.u32 $0x30, v62  }
0x4d: {  	v3 =	vand.u32 $0x7, v3  }
0x4e: {  	v3 =	vor.u32 v3, v4  }
0x4f: {  	v4 =	vperm.xlane v3, v0;
	_ =	sdelay $0x1  }
0x50: {  	v4 =	vadd.s32 v1, v4;
	_ =	sdelay $0x3  }
0x51: {  	v3 =	vperm.xlane v3, v2  }
0x52: {  	[hbm4b:s3+s2] =	stream.indirect_vreg.scatter [tilespmem:s16], [sflag:$0x3], $0x80, v4, vm0, $0xb8;
	[tilespmem:$0xE080] =	vst v63  }
0x53: {  	v3 =	vadd.s32 v1, v3  }
0x54: {  	[hbm4b:s4+s2] =	stream.indirect_vreg.scatter [tilespmem:s17], [sflag:$0x3], $0x80, v4, vm0, $0xb8;
	[tilespmem:$0xE080] =	vst v63  }
0x55: {  	_ = 	snop  }
0x56: {  	[hbm4b:s5+s2] =	stream.indirect_vreg.scatter [tilespmem:s18], [sflag:$0x3], $0x80, v4, vm0, $0xb8;
	[tilespmem:$0xE080] =	vst v63  }
0x57: {  	_ = 	snop  }
0x58: {  	[hbm4b:s3+s2] =	stream.indirect_vreg.scatter [tilespmem:s19], [sflag:$0x3], $0x80, v3, vm0, $0xb8;
	[tilespmem:$0xE080] =	vst v63  }
0x59: {  	_ = 	snop  }
0x5a: {  	[hbm4b:s4+s2] =	stream.indirect_vreg.scatter [tilespmem:s20], [sflag:$0x3], $0x80, v3, vm0, $0xb8;
	[tilespmem:$0xE080] =	vst v63  }
0x5b: {  	_ = 	snop  }
0x5c: {  	[hbm4b:s5+s2] =	stream.indirect_vreg.scatter [tilespmem:s21], [sflag:$0x3], $0x80, v3, vm0, $0xb8;
	[tilespmem:$0xE080] =	vst v63  }
0x5d: {  	v3 =	vld [tilespmem:$0x30];
	_ =	sdelay $0x4  }
0x5e: {  	v63 =	vshrl.u32 v3, $0x3  }
0x5f: {  	v4 =	vmul.u32 $0x30, v63  }
0x60: {  	v3 =	vand.u32 $0x7, v3  }
0x61: {  	v3 =	vor.u32 v3, v4  }
0x62: {  	v4 =	vperm.xlane v3, v0;
	_ =	sdelay $0x1  }
0x63: {  	v4 =	vadd.s32 v1, v4;
	_ =	sdelay $0x3  }
0x64: {  	v3 =	vperm.xlane v3, v2  }
0x65: {  	[hbm4b:s3+s2] =	stream.indirect_vreg.scatter [tilespmem:s22], [sflag:$0x3], $0x80, v4, vm0, $0xb8;
	[tilespmem:$0xE080] =	vst v63  }
0x66: {  	v3 =	vadd.s32 v1, v3  }
0x67: {  	[hbm4b:s4+s2] =	stream.indirect_vreg.scatter [tilespmem:s23], [sflag:$0x3], $0x80, v4, vm0, $0xb8;
	[tilespmem:$0xE080] =	vst v63  }
0x68: {  	_ = 	snop  }
0x69: {  	[hbm4b:s5+s2] =	stream.indirect_vreg.scatter [tilespmem:s24], [sflag:$0x3], $0x80, v4, vm0, $0xb8;
	[tilespmem:$0xE080] =	vst v63  }
0x6a: {  	_ = 	snop  }
0x6b: {  	[hbm4b:s3+s2] =	stream.indirect_vreg.scatter [tilespmem:s25], [sflag:$0x3], $0x80, v3, vm0, $0xb8;
	[tilespmem:$0xE080] =	vst v63  }
0x6c: {  	_ = 	snop  }
0x6d: {  	[hbm4b:s4+s2] =	stream.indirect_vreg.scatter [tilespmem:s26], [sflag:$0x3], $0x80, v3, vm0, $0xb8;
	[tilespmem:$0xE080] =	vst v63  }
0x6e: {  	_ = 	snop  }
0x6f: {  	[hbm4b:s5+s2] =	stream.indirect_vreg.scatter [tilespmem:s28], [sflag:$0x3], $0x80, v3, vm0, $0xb8;
	[tilespmem:$0xE080] =	vst v63  }
0x70: {  	_ =	swait.ge [sflag:s29], $0x2000  }
0x71: {  	[sflag:s29] =	ssyncset.done $0x0  }
0x72: {  	s11 =	rddreg [dreg:$0x4];
	[sflag:s29] =	ssyncadd.s32 $0xFFFFE000  }
0x73: {  	[hbm4b:s11+s30] =	stream.indirect.scatter [tilespmem:s9], [sflag:$0x4], $0x80, s2, s30, $0xb8;
	[tilespmem:$0xE080] =	vst v63  }
0x74: {  	p0 =	sne.s32 s6, $0x1;
	_ =	swait.ge [sflag:s31], $0xC000  }
.Ltmp0:
0x75: {  	[sflag:s31] =	ssyncset.done $0x0;
	(pc) =	sbr.rel @p0 .LBB2_1-.Ltmp0, $4  }
0x76: {  	[sflag:s31] =	ssyncadd.s32 $0xFFFF4000  }
0x77: {  	_ =	swait.ge [sflag:s0], $0x2000  }
0x78: {  	[sflag:s0] =	ssyncset.done $0x0  }
0x79: {  	s6 =	sadd.s32 $0xFFFFFFFF, s6;
	[sflag:s0] =	ssyncadd.s32 $0xFFFFE000  }
0x7a: {  	_ =	sfence.sel $0x180000  }
0x7b: {  	[bflag:$0x0] =	sbarrier.arrive $0xFFFF  }
0x7c: {  	_ =	strace $0x90000047  }
0x7d: {  	s0 =	stileid.u32;
	[bflag:$0x2] =	sbarrier.arrive $0xFFFF  }
0x7e: {  	p0 =	sne.s32 s0, $0x0;
	s0 =	rddreg [dreg:$0x3]  }
0x7f: {  	s0 =	sadd.s32 @!p0 $0x100000, s0  }
0x80: {  	[sflag:s0] =	ssyncadd.tile.s32 @!p0 $0x1;
	_ =	shalt  }
.Lfunc_end2:
_tile_overlayer_lowered:
.L_overlay_start_2:
0x81: {  	(tag) =	ssettag $0x2  }
0x82: {  	s0 =	rddreg [dreg:$0x0];
	s2 =	stileid.u32  }
0x83: {  	s1 =	rddreg [dreg:$0x1];
	p0 =	sne.s32 s2, $0x0  }
0x84: {  	s3 =	rddreg [dreg:$0x2];
	[bflag:$0x3] =	sbarrier.arrive $0xFFFF;
	s2 =	simm.s32 @!p0 $0x1C05  }
0x85: {  	[timem:s3], [sflag:s2] =	dma.local @!p0 [hbm:s0], s1  }
0x86: {  	s0 =	simm.s32 @!p0 $0x5  }
0x87: {  	_ =	swait.ge @!p0 [sflag:s0], s1  }
0x88: {  	s1 =	ssub.s32 @!p0 $0x0, s1;
	[sflag:s0] =	ssyncset.done @!p0 $0x0  }
0x89: {  	[sflag:s0] =	ssyncadd.s32 @!p0 s1  }
0x8a: {  	[bflag:$0x3] =	sbarrier.arrive $0xFFFF  }
0x8b: {  	_ =	shalt  }

// kernel: kernel.9.cloned.1.call-start
scs
__scs_entry_jumppad:
0x0: {  	(pc) =	sbr.rel $0x88, $3  }
0x1: {  	(tag) =	ssettag $0x0;
	lr =	simm.s32 $0x1  }
0x2: {  	[smem:$0x3F9B] =	sst lr;
	_ =	strace $0xD0000000  }
0x3: {  	_ = 	snop  }
0x4: {  	_ = 	snop  }
0x5: {  	_ = 	snop  }
0x6: {  	_ = 	snop  }
0x7: {  	_ = 	snop  }
__scs_overlays_trampoline_lowered:
0x8: {  	[smem:$0x3FAA] =	sst s0  }
0x9: {  	[smem:$0x3FAB] =	sst s1  }
0xa: {  	[smem:$0x3FAC] =	sst s2  }
0xb: {  	[smem:$0x3FAD] =	sst s3  }
0xc: {  	[smem:$0x3FAE] =	sst s4  }
0xd: {  	[smem:$0x3FAF] =	sst s5  }
0xe: {  	[smem:$0x3FB0] =	sst s6  }
0xf: {  	[smem:$0x3FB1] =	sst s7  }
0x10: {  	[smem:$0x3FB2] =	sst s8  }
0x11: {  	[smem:$0x3FB3] =	sst s9;
	s0 =	simm.s32 @!p0 $0x0  }
0x12: {  	s1 =	sld [smem:$0x3F99];
	s0 =	simm.s32 @p0 $0x1  }
0x13: {  	[smem:$0x3FB4] =	sst s0;
	s0 =	simm.s32 @!p1 $0x0  }
0x14: {  	s2 =	sld [smem:$0x3F98];
	s0 =	simm.s32 @p1 $0x1  }
0x15: {  	[smem:$0x3FB5] =	sst s0;
	s0 =	simm.s32 @!p2 $0x0  }
0x16: {  	s3 =	sld [smem:$0x3FDB];
	s0 =	simm.s32 @p2 $0x1  }
0x17: {  	s4 =	simm.s32 $0x1BF5;
	[smem:$0x3FB7] =	sst s0  }
0x18: {  	s0 =	sld [smem:$0x3F9A];
	_ =	swait.ge [sflag:s4], $0x0  }
0x19: {  	s7 =	sld [smem:$0x3F9B]  }
0x1a: {  	s8 =	sadd.s32 $0xFFFFE003, lr  }
0x1b: {  	s9 =	sadd.s32 $0xFFFFFEF7, lr;
	s5 =	simm.s32 $0xFFFFFFFF;
	p2 =	slt.u32 s8, $0xFFFFF086  }
0x1c: {  	p1 =	slt.u32 s9, $0xF7A;
	s5 =	simm.s32 @!p2 $0x0  }
0x1d: {  	s5 =	simm.s32 @p1 $0x1;
	p0 =	seq.s32 s7, s2  }
0x1e: {  	s7 =	smul.u32 @!p0 $0xF7A, s2;
	p2 =	seq.s32 @!p0 s5, $0x0  }
0x1f: {  	s9 =	smul.u32 $0xF7A, s1;
	s8 =	simm.s32 @!p0 $0x1BF5;
	p2 =	por !p2, p0  }
0x20: {  	[sflag:s8] =	ssyncset.s32 @!p0 $0xFFFFF086;
	s6 =	sadd.s32 @!p0 s3, s7;
	s7 =	simm.s32 @!p0 $0x108  }
0x21: {  	s3 =	sadd.s32 s3, s9;
	s6 =	sadd.s32 @!p0 $0x88, s6;
	s7 =	simm.s32 @p2 $0x1082  }
0x22: {  	[simem:s7], [sflag:s8] =	dma.local @!p0 [hbm:s6], $0xF7A  }
0x23: {  	s9 =	sor.u32 $0xD0000000, s2;
	s6 =	simm.s32 $0x108;
	_ =	swait.ge @!p0 [sflag:s8], $0x0  }
0x24: {  	s3 =	sadd.s32 $0x88, s3;
	s6 =	simm.s32 @!p1 $0x1082;
	[sflag:s4] =	ssyncset.s32 $0xFFFFF086  }
0x25: {  	[simem:s6], [sflag:s4] =	dma.local [hbm:s3], $0xF7A  }
0x26: {  	[smem:$0x3F9B] =	sst s1;
	(tag) =	ssettag s2;
	_ =	strace s9  }
0x27: {  	s1 =	sld [smem:$0x3FAB]  }
0x28: {  	s2 =	sld [smem:$0x3FAC]  }
0x29: {  	s4 =	sld [smem:$0x3FAE]  }
0x2a: {  	p0 =	seq.s32 s5, $0x0;
	s5 =	sld [smem:$0x3FAF]  }
0x2b: {  	s6 =	sld [smem:$0x3FB0]  }
0x2c: {  	s7 =	sld [smem:$0x3FB1]  }
0x2d: {  	s3 =	simm.s32 $0x108;
	s8 =	sld [smem:$0x3FB2]  }
0x2e: {  	s3 =	simm.s32 @!p0 $0x1082;
	s9 =	sld [smem:$0x3FB3]  }
0x2f: {  	lr =	sadd.s32 s0, s3;
	s0 =	sld [smem:$0x3FAA]  }
0x30: {  	s3 =	sld [smem:$0x3FAD]  }
0x31: {  	[smem:$0x3FB6] =	sst s10  }
0x32: {  	s10 =	sld [smem:$0x3FB4];
	_ =	sdelay $0x3  }
0x33: {  	p0 =	seq.s32 s10, $0x1;
	s10 =	sld [smem:$0x3FB6];
	_ =	sdelay $0x3  }
0x34: {  	[smem:$0x3FB6] =	sst s10  }
0x35: {  	s10 =	sld [smem:$0x3FB5];
	_ =	sdelay $0x3  }
0x36: {  	p1 =	seq.s32 s10, $0x1;
	s10 =	sld [smem:$0x3FB6];
	_ =	sdelay $0x3  }
0x37: {  	[smem:$0x3FB6] =	sst s10  }
0x38: {  	s10 =	sld [smem:$0x3FB7]  }
0x39: {  	_ = 	snop;
	(pc) =	sbr.ind lr, $3  }
0x3a: {  	_ = 	snop  }
0x3b: {  	_ = 	snop  }
0x3c: {  	p2 =	seq.s32 s10, $0x1;
	s10 =	sld [smem:$0x3FB6]  }
0x3d: {  	_ =	shalt  }
0x3e: {  	_ =	shalt  }
0x3f: {  	_ =	shalt  }
0x40: {  	_ =	shalt  }
0x41: {  	_ =	shalt  }
0x42: {  	_ =	shalt  }
0x43: {  	_ =	shalt  }
0x44: {  	_ =	shalt  }
0x45: {  	_ =	shalt  }
0x46: {  	_ =	shalt  }
0x47: {  	_ =	shalt  }
0x48: {  	_ =	shalt  }
0x49: {  	_ =	shalt  }
0x4a: {  	_ =	shalt  }
0x4b: {  	_ =	shalt  }
0x4c: {  	_ =	shalt  }
0x4d: {  	_ =	shalt  }
0x4e: {  	_ =	shalt  }
0x4f: {  	_ =	shalt  }
0x50: {  	_ =	shalt  }
0x51: {  	_ =	shalt  }
0x52: {  	_ =	shalt  }
0x53: {  	_ =	shalt  }
0x54: {  	_ =	shalt  }
0x55: {  	_ =	shalt  }
0x56: {  	_ =	shalt  }
0x57: {  	_ =	shalt  }
0x58: {  	_ =	shalt  }
0x59: {  	_ =	shalt  }
0x5a: {  	_ =	shalt  }
0x5b: {  	_ =	shalt  }
0x5c: {  	_ =	shalt  }
0x5d: {  	_ =	shalt  }
0x5e: {  	_ =	shalt  }
0x5f: {  	_ =	shalt  }
0x60: {  	_ =	shalt  }
0x61: {  	_ =	shalt  }
0x62: {  	_ =	shalt  }
0x63: {  	_ =	shalt  }
0x64: {  	_ =	shalt  }
0x65: {  	_ =	shalt  }
0x66: {  	_ =	shalt  }
0x67: {  	_ =	shalt  }
0x68: {  	_ =	shalt  }
0x69: {  	_ =	shalt  }
0x6a: {  	_ =	shalt  }
0x6b: {  	_ =	shalt  }
0x6c: {  	_ =	shalt  }
0x6d: {  	_ =	shalt  }
0x6e: {  	_ =	shalt  }
0x6f: {  	_ =	shalt  }
0x70: {  	_ =	shalt  }
0x71: {  	_ =	shalt  }
0x72: {  	_ =	shalt  }
0x73: {  	_ =	shalt  }
0x74: {  	_ =	shalt  }
0x75: {  	_ =	shalt  }
0x76: {  	_ =	shalt  }
0x77: {  	_ =	shalt  }
0x78: {  	_ =	shalt  }
0x79: {  	_ =	shalt  }
0x7a: {  	_ =	shalt  }
0x7b: {  	_ =	shalt  }
0x7c: {  	_ =	shalt  }
0x7d: {  	_ =	shalt  }
0x7e: {  	_ =	shalt  }
0x7f: {  	_ =	shalt  }
0x80: {  	_ =	shalt  }
0x81: {  	_ =	shalt  }
0x82: {  	_ =	shalt  }
0x83: {  	_ =	shalt  }
0x84: {  	_ =	shalt  }
0x85: {  	_ =	shalt  }
0x86: {  	_ =	shalt  }
0x87: {  	_ =	shalt  }
.Lfunc_end0:
.L_simem_size_0:
called_computation.1_lowered:
.L_overlay_start_0:
0x88: {  	s2 =	sld [smem:$0x3FD9]  }
0x89: {  	s3 =	sld [smem:$0x3FFE];
	_ =	sdelay $0x1  }
0x8a: {  	s1 =	srdreg.scid  }
0x8b: {  	s0 =	sand.u32 $0x1, s1  }
0x8c: {  	s17 =	sshll.u32 s0, $0xA;
	s2 =	sadd.s32 s3, s2  }
0x8d: {  	s2 =	sadd.s32 s2, s17  }
0x8e: {  	[smem:$0x3FC2] =	sst s2  }
0x8f: {  	_ = 	snop  }
0x90: {  	s2 =	sld [smem:$0x3FD0];
	(tm) =	ssettm $0x1  }
0x91: {  	s18 =	sld [smem:$0x3FFB];
	_ =	sdelay $0x3  }
0x92: {  	_ =	strace s18  }
0x93: {  	s3 =	sld [smem:$0x3FFC];
	_ =	sdelay $0x3  }
0x94: {  	_ =	strace s3  }
0x95: {  	s3 =	sld [smem:$0x3FFD];
	_ =	sdelay $0x3  }
0x96: {  	_ =	strace s3  }
0x97: {  	_ =	strace $0x8FFFFFFF  }
0x98: {  	s19 =	sld [smem:$0x3FDB];
	_ =	sdelay $0x1  }
0x99: {  	s4 =	simm.s32 $_scs_section_size  }
0x9a: {  	s5 =	simm.s32 $_size__tile_overlayer_lowered;
	s6 =	simm.s32 $_tile_overlayer_lowered  }
0x9b: {  	s22 =	simm.s32 $0x1BFF;
	s21 =	sshll.u32 s6, $0x1;
	s3 =	sadd.s32 s4, s19  }
0x9c: {  	s7 =	simm.s32 $0x0;
	s20 =	sshll.u32 s5, $0x1;
	s5 =	sadd.s32 s21, s3  }
0x9d: {  	[timem:s7], [sflag:s22] =	dma.local [hbm:s5], s20  }
0x9e: {  	_ =	swait.ge [sflag:s22], s20  }
0x9f: {  	s4 =	ssub.s32 $0x0, s20;
	[sflag:s22] =	ssyncset.done $0x0  }
0xa0: {  	[sflag:s22] =	ssyncadd.s32 s4;
	_ =	sdelay $0x1  }
0xa1: {  	s23 =	simm.s32 $0x1B8B  }
0xa2: {  	_ =	swait.ge [sflag:s23], $0x1  }
0xa3: {  	[sflag:s23] =	ssyncset.done $0x0  }
0xa4: {  	s25 =	simm.s32 $0x1B8E;
	s24 =	sld [smem:$0x3FFE];
	[sflag:s23] =	ssyncadd.s32 $0xFFFFFFFF  }
0xa5: {  	s26 =	simm.s32 $execute0_lowered;
	[smem:$0x3FD2] =	sst s25  }
0xa6: {  	s5 =	sshll.u32 s26, $0x1;
	_ =	strace $0x80000049;
	[dreg:$0x1] =	wrdreg $0xFFFFFFFF  }
0xa7: {  	s28 =	simm.s32 $_size_execute0_lowered;
	s3 =	sadd.s32 s3, s5;
	[dreg:$0x0] =	wrdreg $0x0  }
0xa8: {  	s5 =	sshll.u32 s28, $0x1;
	[dreg:$0x2] =	wrdreg s3  }
0xa9: {  	[dreg:$0x3] =	wrdreg s5  }
0xaa: {  	[dreg:$0x4] =	wrdreg $0xC0  }
0xab: {  	_ =	task [dreg:s7], $0x5FFFF  }
0xac: {  	[dreg:$0x1] =	wrdreg $0xFFFFFFFF  }
0xad: {  	[dreg:$0x0] =	wrdreg $0x60  }
0xae: {  	[dreg:$0x2] =	wrdreg s24  }
0xaf: {  	[dreg:$0x3] =	wrdreg s2  }
0xb0: {  	[dreg:$0x4] =	wrdreg $0x9  }
0xb1: {  	_ =	task.clear_ibuf [dreg:s7], $0x5FFFF;
	_ =	strace $0x90000049  }
0xb2: {  	s29 =	simm.s32 $0x9;
	_ =	strace $0x8000004B  }
0xb3: {  	_ =	swait.ge [sflag:s29], $0x1  }
0xb4: {  	[sflag:s29] =	ssyncadd.s32 $0xFFFFFFFF  }
0xb5: {  	_ =	strace $0x9000004B  }
0xb6: {  	_ =	sfence  }
0xb7: {  	s30 =	sld [smem:$0x0];
	_ =	sdelay $0x2  }
0xb8: {  	s31 =	sshll.u32 s1, $0xD;
	s1 =	sshrl.u32 s1, $0x2  }
0xb9: {  	s3 =	sand.u32 $0x4000, s31;
	s1 =	sadd.s32 s1, s30  }
0xba: {  	s0 =	sor.u32 s3, s0;
	s1 =	sshll.u32 s1, $0x11  }
0xbb: {  	s0 =	sor.u32 s1, s0  }
0xbc: {  	s0 =	sadd.s32 $0x8F2B, s0  }
0xbd: {  	[sflag:s0] =	ssyncadd.remote.s32 $0x1  }
0xbe: {  	_ =	sfence.sel $0xFFFF  }
0xbf: {  	[dreg:$0x0] =	wrdreg $0xFFFFFFFF;
	(pc) =	sbr.abs _section_cstart, $3  }
0xc0: {  	[dreg:$0x1] =	wrdreg $0xFFFFFFFF  }
0xc1: {  	_ =	task.clear_ibuf [dreg:s7], $0x2FFFF;
	_ =	strace $0x9FFFFFFF  }
0xc2: {  	(tm) =	ssettm $0x7FFFFFFF  }
0xc3: {  	_ =	shalt  }
tec
execute0_lowered:
.L_overlay_start_1:
0x0: {  	(tag) =	ssettag $0x1  }
0x1: {  	s0 =	rddreg [dreg:$0x0]  }
0x2: {  	s5 =	rddreg [dreg:$0x1];
	s3 =	srdreg.scid  }
0x3: {  	s1 =	stileid.u32;
	s2 =	simm.s32 $0x0;
	s26 =	simm.s32 $0x880  }
0x4: {  	s10 =	simm.s32 $0x1880;
	s11 =	simm.s32 $0x2080;
	s12 =	simm.s32 $0x2880  }
0x5: {  	s13 =	simm.s32 $0x3080;
	s14 =	simm.s32 $0x3880;
	s15 =	simm.s32 $0x4080  }
0x6: {  	s16 =	simm.s32 $0x4880;
	s17 =	simm.s32 $0x5080;
	s18 =	simm.s32 $0x5880  }
0x7: {  	s19 =	simm.s32 $0x6080;
	s20 =	simm.s32 $0x6880;
	s21 =	simm.s32 $0x7080  }
0x8: {  	s22 =	simm.s32 $0x7880;
	s23 =	simm.s32 $0x8080;
	s28 =	simm.s32 $0xA080  }
0x9: {  	s29 =	simm.s32 $0xA880;
	s30 =	simm.s32 $0xB080;
	s31 =	simm.s32 $0xB880  }
0xa: {  	s3 =	sand.u32 $0x1, s3;
	s4 =	sshll.u32 s1, $0x1;
	[smem:$0x7FF] =	sst s2  }
0xb: {  	s4 =	sor.u32 s3, s4;
	_ =	strace $0x8000004A;
	s7 =	ssub.s32 $0x2, s3  }
0xc: {  	s3 =	sadd.s32 $0x9400, s0;
	[dreg:$0x5] =	wrdreg s26;
	s26 =	simm.s32 $0x9880  }
0xd: {  	s6 =	sshll.u32 s4, $0x4;
	s8 =	sshrl.u32 s7, $0x1;
	s9 =	smul.u32 $0x1800, s4  }
0xe: {  	s4 =	sadd.s32 $0x9500, s0;
	s6 =	sadd.s32 s6, s0;
	s7 =	ssub.s32 s7, s8  }
0xf: {  	s8 =	simm.s32 $0x80;
	s24 =	sadd.s32 $0x9200, s6;
	s25 =	sadd.s32 s5, s9  }
0x10: {  	v2 =	vlaneseq.u32;
	s5 =	sadd.s32 $0x9600, s0;
	s6 =	smax.u32 s7, $0x1;
	s7 =	simm.s32 $0x2  }
0x11: {  	vm0 =	vmmov $0xffff;
	v1 =	vshrl.u32 v2, $0x3;
	s9 =	simm.s32 $0x1080;
	s0 =	simm.s32 $0x1;
	[dreg:$0x3] =	wrdreg s24  }
0x12: {  	v0 =	vand.u32 $0x7, v2;
	v2 =	vor.u32 $0x8, v2;
	v1 =	vmul.u32 $0x8, v1;
	[dreg:$0x4] =	wrdreg s25;
	s24 =	simm.s32 $0x8880;
	s25 =	simm.s32 $0x9080  }
.LBB2_1:
0x13: {  	s1 =	rddreg [dreg:$0x3]  }
0x14: {  	[tilespmem:s2], [sflag:$0x2] =	stream.linear.gather [hbm4b:s1+s2], $0x80, $0x38;
	[tilespmem:$0xC080] =	vst v63  }
0x15: {  	_ =	swait.ge [sflag:s7], $0x80  }
0x16: {  	[sflag:s7] =	ssyncset.done $0x0  }
0x17: {  	[sflag:s7] =	ssyncadd.s32 $0xFFFFFF80  }
0x18: {  	v3 =	vld [tilespmem:$0x0];
	_ =	sdelay $0x4  }
0x19: {  	v4 =	vshrl.u32 v3, $0x3  }
0x1a: {  	v4 =	vmul.u32 $0x30, v4  }
0x1b: {  	v3 =	vand.u32 $0x7, v3  }
0x1c: {  	v3 =	vor.u32 v3, v4  }
0x1d: {  	v4 =	vperm.xlane v3, v0;
	_ =	sdelay $0x1  }
0x1e: {  	v4 =	vadd.s32 v1, v4;
	_ =	sdelay $0x3  }
0x1f: {  	v3 =	vperm.xlane v3, v2  }
0x20: {  	[tilespmem:s8], [sflag:$0x1] =	stream.indirect_vreg.gather [hbm4b:s3+s2], $0x80, v4, vm0, $0xb8;
	[tilespmem:$0xC080] =	vst v63  }
0x21: {  	s1 =	rddreg [dreg:$0x5];
	v3 =	vadd.s32 v1, v3  }
0x22: {  	[tilespmem:s1], [sflag:$0x1] =	stream.indirect_vreg.gather [hbm4b:s4+s2], $0x80, v4, vm0, $0xb8;
	[tilespmem:$0xC080] =	vst v63  }
0x23: {  	_ = 	snop  }
0x24: {  	[tilespmem:s9], [sflag:$0x1] =	stream.indirect_vreg.gather [hbm4b:s5+s2], $0x80, v4, vm0, $0xb8;
	[tilespmem:$0xC080] =	vst v63  }
0x25: {  	_ = 	snop  }
0x26: {  	[tilespmem:s10], [sflag:$0x1] =	stream.indirect_vreg.gather [hbm4b:s3+s2], $0x80, v3, vm0, $0xb8;
	[tilespmem:$0xC080] =	vst v63  }
0x27: {  	_ = 	snop  }
0x28: {  	[tilespmem:s11], [sflag:$0x1] =	stream.indirect_vreg.gather [hbm4b:s4+s2], $0x80, v3, vm0, $0xb8;
	[tilespmem:$0xC080] =	vst v63  }
0x29: {  	_ = 	snop  }
0x2a: {  	[tilespmem:s12], [sflag:$0x1] =	stream.indirect_vreg.gather [hbm4b:s5+s2], $0x80, v3, vm0, $0xb8;
	[tilespmem:$0xC080] =	vst v63  }
0x2b: {  	v3 =	vld [tilespmem:$0x10];
	_ =	sdelay $0x4  }
0x2c: {  	v61 =	vshrl.u32 v3, $0x3  }
0x2d: {  	v4 =	vmul.u32 $0x30, v61  }
0x2e: {  	v3 =	vand.u32 $0x7, v3  }
0x2f: {  	v3 =	vor.u32 v3, v4  }
0x30: {  	v4 =	vperm.xlane v3, v0;
	_ =	sdelay $0x1  }
0x31: {  	v4 =	vadd.s32 v1, v4;
	_ =	sdelay $0x3  }
0x32: {  	v3 =	vperm.xlane v3, v2  }
0x33: {  	[tilespmem:s13], [sflag:$0x1] =	stream.indirect_vreg.gather [hbm4b:s3+s2], $0x80, v4, vm0, $0xb8;
	[tilespmem:$0xC080] =	vst v63  }
0x34: {  	v3 =	vadd.s32 v1, v3  }
0x35: {  	[tilespmem:s14], [sflag:$0x1] =	stream.indirect_vreg.gather [hbm4b:s4+s2], $0x80, v4, vm0, $0xb8;
	[tilespmem:$0xC080] =	vst v63  }
0x36: {  	_ = 	snop  }
0x37: {  	[tilespmem:s15], [sflag:$0x1] =	stream.indirect_vreg.gather [hbm4b:s5+s2], $0x80, v4, vm0, $0xb8;
	[tilespmem:$0xC080] =	vst v63  }
0x38: {  	_ = 	snop  }
0x39: {  	[tilespmem:s16], [sflag:$0x1] =	stream.indirect_vreg.gather [hbm4b:s3+s2], $0x80, v3, vm0, $0xb8;
	[tilespmem:$0xC080] =	vst v63  }
0x3a: {  	_ = 	snop  }
0x3b: {  	[tilespmem:s17], [sflag:$0x1] =	stream.indirect_vreg.gather [hbm4b:s4+s2], $0x80, v3, vm0, $0xb8;
	[tilespmem:$0xC080] =	vst v63  }
0x3c: {  	_ = 	snop  }
0x3d: {  	[tilespmem:s18], [sflag:$0x1] =	stream.indirect_vreg.gather [hbm4b:s5+s2], $0x80, v3, vm0, $0xb8;
	[tilespmem:$0xC080] =	vst v63  }
0x3e: {  	v3 =	vld [tilespmem:$0x20];
	_ =	sdelay $0x4  }
0x3f: {  	v62 =	vshrl.u32 v3, $0x3  }
0x40: {  	v4 =	vmul.u32 $0x30, v62  }
0x41: {  	v3 =	vand.u32 $0x7, v3  }
0x42: {  	v3 =	vor.u32 v3, v4  }
0x43: {  	v4 =	vperm.xlane v3, v0;
	_ =	sdelay $0x1  }
0x44: {  	v4 =	vadd.s32 v1, v4;
	_ =	sdelay $0x3  }
0x45: {  	v3 =	vperm.xlane v3, v2  }
0x46: {  	[tilespmem:s19], [sflag:$0x1] =	stream.indirect_vreg.gather [hbm4b:s3+s2], $0x80, v4, vm0, $0xb8;
	[tilespmem:$0xC080] =	vst v63  }
0x47: {  	v3 =	vadd.s32 v1, v3  }
0x48: {  	[tilespmem:s20], [sflag:$0x1] =	stream.indirect_vreg.gather [hbm4b:s4+s2], $0x80, v4, vm0, $0xb8;
	[tilespmem:$0xC080] =	vst v63  }
0x49: {  	_ = 	snop  }
0x4a: {  	[tilespmem:s21], [sflag:$0x1] =	stream.indirect_vreg.gather [hbm4b:s5+s2], $0x80, v4, vm0, $0xb8;
	[tilespmem:$0xC080] =	vst v63  }
0x4b: {  	_ = 	snop  }
0x4c: {  	[tilespmem:s22], [sflag:$0x1] =	stream.indirect_vreg.gather [hbm4b:s3+s2], $0x80, v3, vm0, $0xb8;
	[tilespmem:$0xC080] =	vst v63  }
0x4d: {  	_ = 	snop  }
0x4e: {  	[tilespmem:s23], [sflag:$0x1] =	stream.indirect_vreg.gather [hbm4b:s4+s2], $0x80, v3, vm0, $0xb8;
	[tilespmem:$0xC080] =	vst v63  }
0x4f: {  	_ = 	snop  }
0x50: {  	[tilespmem:s24], [sflag:$0x1] =	stream.indirect_vreg.gather [hbm4b:s5+s2], $0x80, v3, vm0, $0xb8;
	[tilespmem:$0xC080] =	vst v63  }
0x51: {  	v3 =	vld [tilespmem:$0x30];
	_ =	sdelay $0x4  }
0x52: {  	v63 =	vshrl.u32 v3, $0x3  }
0x53: {  	v4 =	vmul.u32 $0x30, v63  }
0x54: {  	v3 =	vand.u32 $0x7, v3  }
0x55: {  	v3 =	vor.u32 v3, v4  }
0x56: {  	v4 =	vperm.xlane v3, v0;
	_ =	sdelay $0x1  }
0x57: {  	v4 =	vadd.s32 v1, v4;
	_ =	sdelay $0x3  }
0x58: {  	v3 =	vperm.xlane v3, v2  }
0x59: {  	[tilespmem:s25], [sflag:$0x1] =	stream.indirect_vreg.gather [hbm4b:s3+s2], $0x80, v4, vm0, $0xb8;
	[tilespmem:$0xC080] =	vst v63  }
0x5a: {  	v3 =	vadd.s32 v1, v3  }
0x5b: {  	[tilespmem:s26], [sflag:$0x1] =	stream.indirect_vreg.gather [hbm4b:s4+s2], $0x80, v4, vm0, $0xb8;
	[tilespmem:$0xC080] =	vst v63  }
0x5c: {  	_ = 	snop  }
0x5d: {  	[tilespmem:s28], [sflag:$0x1] =	stream.indirect_vreg.gather [hbm4b:s5+s2], $0x80, v4, vm0, $0xb8;
	[tilespmem:$0xC080] =	vst v63  }
0x5e: {  	_ = 	snop  }
0x5f: {  	[tilespmem:s29], [sflag:$0x1] =	stream.indirect_vreg.gather [hbm4b:s3+s2], $0x80, v3, vm0, $0xb8;
	[tilespmem:$0xC080] =	vst v63  }
0x60: {  	_ = 	snop  }
0x61: {  	[tilespmem:s30], [sflag:$0x1] =	stream.indirect_vreg.gather [hbm4b:s4+s2], $0x80, v3, vm0, $0xb8;
	[tilespmem:$0xC080] =	vst v63  }
0x62: {  	_ = 	snop  }
0x63: {  	[tilespmem:s31], [sflag:$0x1] =	stream.indirect_vreg.gather [hbm4b:s5+s2], $0x80, v3, vm0, $0xb8;
	[tilespmem:$0xC080] =	vst v63  }
0x64: {  	_ =	swait.ge [sflag:s0], $0xC000  }
0x65: {  	p0 =	sne.s32 s6, $0x1;
	[sflag:s0] =	ssyncset.done $0x0  }
.Ltmp0:
0x66: {  	s1 =	rddreg [dreg:$0x4];
	[sflag:s0] =	ssyncadd.s32 $0xFFFF4000;
	(pc) =	sbr.rel @p0 .LBB2_1-.Ltmp0, $4  }
0x67: {  	[hbm4b:s1+s2] =	stream.linear.scatter [tilespmem:s8], [sflag:$0x2], $0xC000, $0x38;
	[tilespmem:$0xC080] =	vst v63  }
0x68: {  	_ =	swait.ge [sflag:s7], $0xC000  }
0x69: {  	[sflag:s7] =	ssyncset.done $0x0  }
0x6a: {  	s6 =	sadd.s32 $0xFFFFFFFF, s6;
	[sflag:s7] =	ssyncadd.s32 $0xFFFF4000  }
0x6b: {  	_ =	sfence.sel $0x180000  }
0x6c: {  	[bflag:$0x0] =	sbarrier.arrive $0xFFFF  }
0x6d: {  	_ =	strace $0x9000004A  }
0x6e: {  	s0 =	stileid.u32;
	[bflag:$0x2] =	sbarrier.arrive $0xFFFF  }
0x6f: {  	p0 =	sne.s32 s0, $0x0;
	s0 =	rddreg [dreg:$0x2]  }
0x70: {  	s0 =	sadd.s32 @!p0 $0x100000, s0  }
0x71: {  	[sflag:s0] =	ssyncadd.tile.s32 @!p0 $0x1;
	_ =	shalt  }
.Lfunc_end2:
_tile_overlayer_lowered:
.L_overlay_start_2:
0x72: {  	(tag) =	ssettag $0x2  }
0x73: {  	s0 =	rddreg [dreg:$0x0];
	s2 =	stileid.u32  }
0x74: {  	s1 =	rddreg [dreg:$0x1];
	p0 =	sne.s32 s2, $0x0  }
0x75: {  	s3 =	rddreg [dreg:$0x2];
	[bflag:$0x3] =	sbarrier.arrive $0xFFFF;
	s2 =	simm.s32 @!p0 $0x1C02  }
0x76: {  	[timem:s3], [sflag:s2] =	dma.local @!p0 [hbm:s0], s1  }
0x77: {  	s0 =	simm.s32 @!p0 $0x2  }
0x78: {  	_ =	swait.ge @!p0 [sflag:s0], s1  }
0x79: {  	s1 =	ssub.s32 @!p0 $0x0, s1;
	[sflag:s0] =	ssyncset.done @!p0 $0x0  }
0x7a: {  	[sflag:s0] =	ssyncadd.s32 @!p0 s1  }
0x7b: {  	[bflag:$0x3] =	sbarrier.arrive $0xFFFF  }
0x7c: {  	_ =	shalt  }

</sc_bundles>
